<compile_context>
chip_gen: v7x
topology: tpu7x:2x2x1
jax: 0.10.2.dev20260603
libtpu: 0.0.44.dev20260713+nightly
codegen_flags: <defaults>
</compile_context>

<pallas_src>
import functools

import jax
import jax.numpy as jnp
from jax import lax
from jax.experimental import pallas as pl
from jax.experimental.pallas import tpu as pltpu
from jax.experimental.pallas import tpu_sc as plsc

N_NODES = 10000
N_EDGES = 320000
D = 128

NC = 2
NS = 16
NW = NC * NS

EDGES_PER_WORKER = N_EDGES // NW
CHUNK = 80
CHUNKS = EDGES_PER_WORKER // CHUNK
ROWS_MAIN = 640
ROWS_LAST = N_NODES - 15 * ROWS_MAIN


NIB = 8
NRB = 4
GD = 3


def _sc_scatter_body(src_hbm, dst_hbm, feat_hbm, part_hbm, *refs):
    isrc = refs[0:NIB]
    idst = refs[NIB:2 * NIB]
    rows = refs[2 * NIB:2 * NIB + NRB]
    acc = refs[2 * NIB + NRB]
    sems = refs[2 * NIB + NRB + 1:]
    sem_i = sems[0:NIB]
    sem_g = sems[NIB:NIB + NRB]
    sem_s = sems[NIB + NRB:NIB + 2 * NRB]
    sem_init = sems[NIB + 2 * NRB]
    c = lax.axis_index("c")
    s = lax.axis_index("s")
    wid = s * NC + c

    @pl.when(s < 15)
    def _():
        pltpu.async_copy(feat_hbm.at[pl.ds(s * ROWS_MAIN, ROWS_MAIN)],
                         acc.at[pl.ds(s * ROWS_MAIN, ROWS_MAIN)], sem_init)

    @pl.when(s == 15)
    def _():
        pltpu.async_copy(feat_hbm.at[pl.ds(15 * ROWS_MAIN, ROWS_LAST)],
                         acc.at[pl.ds(15 * ROWS_MAIN, ROWS_LAST)], sem_init)

    base = wid * EDGES_PER_WORKER

    def start_idx(i, ji):
        off = base + i * CHUNK
        pltpu.async_copy(src_hbm.at[pl.ds(off, CHUNK)], isrc[ji], sem_i[ji])
        pltpu.async_copy(dst_hbm.at[pl.ds(off, CHUNK)], idst[ji], sem_i[ji])

    def wait_idx(ji):
        pltpu.make_async_copy(src_hbm.at[pl.ds(0, CHUNK)], isrc[ji],
                              sem_i[ji]).wait()
        pltpu.make_async_copy(dst_hbm.at[pl.ds(0, CHUNK)], idst[ji],
                              sem_i[ji]).wait()

    def start_gather(ji, jr):
        pltpu.async_copy(feat_hbm.at[isrc[ji]], rows[jr], sem_g[jr])

    def wait_gather(ji, jr):
        pltpu.make_async_copy(feat_hbm.at[isrc[ji]], rows[jr],
                              sem_g[jr]).wait()

    def start_scatter(ji, jr):
        pltpu.async_copy(rows[jr], acc.at[idst[ji]], sem_s[jr], add=True)

    def wait_scatter(ji, jr):
        pltpu.make_async_copy(rows[jr], acc.at[idst[ji]], sem_s[jr]).wait()

    def step(i, r):
        @pl.when(i >= 1)
        def _():
            wait_scatter((r - 1) % NIB, (r - 1) % NRB)

        @pl.when(i + (NIB - 1) < CHUNKS)
        def _():
            start_idx(i + NIB - 1, (r - 1) % NIB)

        wait_gather(r, r % NRB)
        start_scatter(r, r % NRB)

        @pl.when(i + GD < CHUNKS)
        def _():
            wait_idx((r + GD) % NIB)
            start_gather((r + GD) % NIB, (r + GD) % NRB)

    for j in range(NIB - 1):
        start_idx(j, j)
    for j in range(GD):
        wait_idx(j)
        start_gather(j, j)

    @pl.when(s < 15)
    def _():
        pltpu.make_async_copy(feat_hbm.at[pl.ds(0, ROWS_MAIN)],
                              acc.at[pl.ds(0, ROWS_MAIN)], sem_init).wait()

    @pl.when(s == 15)
    def _():
        pltpu.make_async_copy(feat_hbm.at[pl.ds(0, ROWS_LAST)],
                              acc.at[pl.ds(0, ROWS_LAST)], sem_init).wait()

    plsc.subcore_barrier()

    def body(i, carry):
        for r in range(NIB):
            @pl.when(i % NIB == r)
            def _(r=r):
                step(i, r)
        return carry

    lax.fori_loop(0, CHUNKS, body, 0)
    wait_scatter((CHUNKS - 1) % NIB, (CHUNKS - 1) % NRB)
    plsc.subcore_barrier()

    @pl.when(s < 15)
    def _():
        pltpu.sync_copy(acc.at[pl.ds(s * ROWS_MAIN, ROWS_MAIN)],
                        part_hbm.at[c, pl.ds(s * ROWS_MAIN, ROWS_MAIN)])

    @pl.when(s == 15)
    def _():
        pltpu.sync_copy(acc.at[pl.ds(15 * ROWS_MAIN, ROWS_LAST)],
                        part_hbm.at[c, pl.ds(15 * ROWS_MAIN, ROWS_LAST)])


@functools.partial(jax.jit, static_argnums=())
def _sc_scatter(src, dst, features):
    mesh = plsc.VectorSubcoreMesh(core_axis_name="c", subcore_axis_name="s")
    f = pl.kernel(
        _sc_scatter_body,
        out_type=jax.ShapeDtypeStruct((NC, N_NODES, D), jnp.float32),
        mesh=mesh,
        scratch_types=(
            [pltpu.VMEM((CHUNK,), jnp.int32)] * (2 * NIB)
            + [pltpu.VMEM((CHUNK, D), jnp.float32)] * NRB
            + [pltpu.VMEM_SHARED((N_NODES, D), jnp.float32)]
            + [pltpu.SemaphoreType.DMA] * (NIB + 2 * NRB + 1)
        ),
    )
    return f(src, dst, features)


def _tc_finish_body(p_ref, f_ref, w_ref, b_ref, o_ref):
    h = p_ref[0] + p_ref[1] - f_ref[...]
    norm = jnp.sqrt(jnp.sum(h * h, axis=1, keepdims=True))
    hn = h / jnp.maximum(norm, 1e-12)
    o_ref[...] = lax.dot_general(
        hn, w_ref[...], (((1,), (1,)), ((), ())),
        preferred_element_type=jnp.float32) + b_ref[...]


def _tc_finish(parts, features, W, b2d):
    R = 5000
    grid = N_NODES // R
    return pl.pallas_call(
        _tc_finish_body,
        grid=(grid,),
        in_specs=[
            pl.BlockSpec((NC, R, D), lambda i: (0, i, 0)),
            pl.BlockSpec((R, D), lambda i: (i, 0)),
            pl.BlockSpec((D, D), lambda i: (0, 0)),
            pl.BlockSpec((1, D), lambda i: (0, 0)),
        ],
        out_specs=pl.BlockSpec((R, D), lambda i: (i, 0)),
        out_shape=jax.ShapeDtypeStruct((N_NODES, D), jnp.float32),
    )(parts, features, W, b2d)


def kernel(features, edge_index, W, b):
    src = edge_index[0].astype(jnp.int32)
    dst = edge_index[1].astype(jnp.int32)
    parts = _sc_scatter(src, dst, features)
    return _tc_finish(parts, features, W, b.reshape(1, D))

# --- scband reference (transcript-rebuilt; emitter-appended) ---
"""Pipeline reference for scband-gcnlayer-full-81080392614620 (READ-ONLY COPY).

The authoritative reference and input builder live on the scoring server;
editing this copy changes nothing except your own understanding.
"""

import jax, jax.numpy as jnp
import numpy as np

N_NODES = 10000
N_EDGES = 320000
D_IN = 128
D_OUT = 128


def setup_inputs(seed: int = 0) -> dict:
    key = jax.random.key(seed)
    k1, k2, k3, k4 = jax.random.split(key, 4)
    features = jax.random.normal(k1, (N_NODES, D_IN), dtype=jnp.float32)
    edge_index = jax.random.randint(k2, (2, N_EDGES), 0, N_NODES, dtype=jnp.int64)
    # nn.Linear(features_in, features_out) params
    bound = 1.0 / np.sqrt(D_IN)
    W = jax.random.uniform(k3, (D_OUT, D_IN), dtype=jnp.float32, minval=-bound, maxval=bound)
    b = jax.random.uniform(k4, (D_OUT,), dtype=jnp.float32, minval=-bound, maxval=bound)
    return {"features": features, "edge_index": edge_index, "W": W, "b": b}


def reference(features, edge_index, W, b):
    # GCN message passing: copy_u('h','m') + sum -> h_N[dst] = sum over incoming edges of features[src]
    src = edge_index[0]
    dst = edge_index[1]
    msgs = jnp.take(features, src, axis=0)                      # gather: [E, D]
    h_N = jnp.zeros_like(features).at[dst].add(msgs)            # scatter-add by dst
    # h_N[node] = features[node] + sum_neighbors(features)
    h = features + h_N
    # F.normalize(h, dim=1): L2 normalize per row with eps=1e-12
    norm = jnp.sqrt(jnp.sum(h * h, axis=1, keepdims=True))
    h_norm = h / jnp.maximum(norm, 1e-12)
    # linear layer
    out = h_norm @ W.T + b
    return out

if __name__ == "__main__":
    import jax
    _d = setup_inputs()
    print(jax.jit(kernel)(*tuple(_d.values())))

</pallas_src>

<mosaic_0001>
#map = affine_map<(d0, d1) -> (0)>
#map1 = affine_map<(d0, d1) -> (0, 0)>
#map2 = affine_map<(d0, d1) -> (0, 0, 0)>
module attributes {stable_mosaic.version = 14 : i64} {
  func.func @_sc_scatter_body(%arg0: i32, %arg1: i32, %arg2: memref<320000xi32, #tpu.memory_space<hbm>>, %arg3: memref<320000xi32, #tpu.memory_space<hbm>>, %arg4: memref<10000x128xf32, #tpu.memory_space<hbm>>, %arg5: memref<2x10000x128xf32, #tpu.memory_space<hbm>>, %arg6: memref<80xi32, #tpu.memory_space<vmem>>, %arg7: memref<80xi32, #tpu.memory_space<vmem>>, %arg8: memref<80xi32, #tpu.memory_space<vmem>>, %arg9: memref<80xi32, #tpu.memory_space<vmem>>, %arg10: memref<80xi32, #tpu.memory_space<vmem>>, %arg11: memref<80xi32, #tpu.memory_space<vmem>>, %arg12: memref<80xi32, #tpu.memory_space<vmem>>, %arg13: memref<80xi32, #tpu.memory_space<vmem>>, %arg14: memref<80xi32, #tpu.memory_space<vmem>>, %arg15: memref<80xi32, #tpu.memory_space<vmem>>, %arg16: memref<80xi32, #tpu.memory_space<vmem>>, %arg17: memref<80xi32, #tpu.memory_space<vmem>>, %arg18: memref<80xi32, #tpu.memory_space<vmem>>, %arg19: memref<80xi32, #tpu.memory_space<vmem>>, %arg20: memref<80xi32, #tpu.memory_space<vmem>>, %arg21: memref<80xi32, #tpu.memory_space<vmem>>, %arg22: memref<80x128xf32, #tpu.memory_space<vmem>>, %arg23: memref<80x128xf32, #tpu.memory_space<vmem>>, %arg24: memref<80x128xf32, #tpu.memory_space<vmem>>, %arg25: memref<80x128xf32, #tpu.memory_space<vmem>>, %arg26: memref<10000x128xf32, #tpu.memory_space<vmem_shared>>, %arg27: memref<!tpu.dma_semaphore, #tpu.memory_space<semaphore_mem>>, %arg28: memref<!tpu.dma_semaphore, #tpu.memory_space<semaphore_mem>>, %arg29: memref<!tpu.dma_semaphore, #tpu.memory_space<semaphore_mem>>, %arg30: memref<!tpu.dma_semaphore, #tpu.memory_space<semaphore_mem>>, %arg31: memref<!tpu.dma_semaphore, #tpu.memory_space<semaphore_mem>>, %arg32: memref<!tpu.dma_semaphore, #tpu.memory_space<semaphore_mem>>, %arg33: memref<!tpu.dma_semaphore, #tpu.memory_space<semaphore_mem>>, %arg34: memref<!tpu.dma_semaphore, #tpu.memory_space<semaphore_mem>>, %arg35: memref<!tpu.dma_semaphore, #tpu.memory_space<semaphore_mem>>, %arg36: memref<!tpu.dma_semaphore, #tpu.memory_space<semaphore_mem>>, %arg37: memref<!tpu.dma_semaphore, #tpu.memory_space<semaphore_mem>>, %arg38: memref<!tpu.dma_semaphore, #tpu.memory_space<semaphore_mem>>, %arg39: memref<!tpu.dma_semaphore, #tpu.memory_space<semaphore_mem>>, %arg40: memref<!tpu.dma_semaphore, #tpu.memory_space<semaphore_mem>>, %arg41: memref<!tpu.dma_semaphore, #tpu.memory_space<semaphore_mem>>, %arg42: memref<!tpu.dma_semaphore, #tpu.memory_space<semaphore_mem>>, %arg43: memref<!tpu.dma_semaphore, #tpu.memory_space<semaphore_mem>>) attributes {dimension_semantics = [#tpu.dimension_semantics<core_parallel>, #tpu.dimension_semantics<subcore_parallel>], iteration_bounds = array<i64: 2, 16>, scalar_prefetch = 0 : i64, scratch_operands = 38 : i64, tpu.core_type = #tpu.core_type<sc_vector_subcore>, window_params = [{transform_indices = #map}, {transform_indices = #map}, {transform_indices = #map1}, {transform_indices = #map2}]} {
    %mul3A = arith.constant 2 : i32
    %mul3A_0 = arith.muli %arg1, %mul3A : i32
    %add3A = arith.addi %mul3A_0, %arg0 : i32
    %lt3A = arith.constant 15 : i32
    %lt3A_1 = arith.cmpi slt, %arg1, %lt3A : i32
    %convert_element_type3A = arith.extui %lt3A_1 : i1 to i32
    %cond3A = arith.constant 0 : i32
    %cond3A_2 = arith.cmpi ne, %convert_element_type3A, %cond3A : i32
    scf.if %cond3A_2 {
      %mul3A_111 = arith.constant 640 : i32
      %mul3A_112 = arith.muli %arg1, %mul3A_111 : i32
      %mul3A_113 = arith.constant 640 : i32
      %mul3A_114 = arith.muli %arg1, %mul3A_113 : i32
      %dma_start3A_115 = arith.constant 0 : i32
      %dma_start3A_116 = tpu.memref_slice %arg26[%mul3A_114, %dma_start3A_115] : memref<10000x128xf32, #tpu.memory_space<vmem_shared>> -> memref<640x128xf32, #tpu.memory_space<vmem_shared>>
      %dma_start3A_117 = arith.constant 0 : i32
      %dma_start3A_118 = tpu.memref_slice %arg4[%mul3A_112, %dma_start3A_117] : memref<10000x128xf32, #tpu.memory_space<hbm>> -> memref<640x128xf32, #tpu.memory_space<hbm>>
      tpu.enqueue_dma source(%dma_start3A_118 : memref<640x128xf32, #tpu.memory_space<hbm>>) target(%dma_start3A_116 : memref<640x128xf32, #tpu.memory_space<vmem_shared>>) target_semaphore(%arg43 : memref<!tpu.dma_semaphore, #tpu.memory_space<semaphore_mem>>)
    } else {
    }
    %eq3A = arith.constant 15 : i32
    %eq3A_3 = arith.cmpi eq, %arg1, %eq3A : i32
    %convert_element_type3A_4 = arith.extui %eq3A_3 : i1 to i32
    %cond3A_5 = arith.constant 0 : i32
    %cond3A_6 = arith.cmpi ne, %convert_element_type3A_4, %cond3A_5 : i32
    scf.if %cond3A_6 {
      %dma_start3A_111 = arith.constant 9600 : i32
      %dma_start3A_112 = arith.constant 0 : i32
      %dma_start3A_113 = tpu.memref_slice %arg26[%dma_start3A_111, %dma_start3A_112] : memref<10000x128xf32, #tpu.memory_space<vmem_shared>> -> memref<400x128xf32, #tpu.memory_space<vmem_shared>>
      %dma_start3A_114 = arith.constant 9600 : i32
      %dma_start3A_115 = arith.constant 0 : i32
      %dma_start3A_116 = tpu.memref_slice %arg4[%dma_start3A_114, %dma_start3A_115] : memref<10000x128xf32, #tpu.memory_space<hbm>> -> memref<400x128xf32, #tpu.memory_space<hbm>>
      tpu.enqueue_dma source(%dma_start3A_116 : memref<400x128xf32, #tpu.memory_space<hbm>>) target(%dma_start3A_113 : memref<400x128xf32, #tpu.memory_space<vmem_shared>>) target_semaphore(%arg43 : memref<!tpu.dma_semaphore, #tpu.memory_space<semaphore_mem>>)
    } else {
    }
    %mul3A_7 = arith.constant 10000 : i32
    %mul3A_8 = arith.muli %add3A, %mul3A_7 : i32
    %add3A_9 = arith.constant 0 : i32
    %add3A_10 = arith.addi %mul3A_8, %add3A_9 : i32
    %dma_start3A = tpu.memref_slice %arg2[%add3A_10] : memref<320000xi32, #tpu.memory_space<hbm>> -> memref<80xi32, #tpu.memory_space<hbm>>
    %dma_start3A_11 = tpu.memref_slice %arg2[%add3A_10] : memref<320000xi32, #tpu.memory_space<hbm>> -> memref<80xi32, #tpu.memory_space<hbm>>
    tpu.enqueue_dma source(%dma_start3A_11 : memref<80xi32, #tpu.memory_space<hbm>>) target(%arg6 : memref<80xi32, #tpu.memory_space<vmem>>) target_semaphore(%arg27 : memref<!tpu.dma_semaphore, #tpu.memory_space<semaphore_mem>>)
    %dma_start3A_12 = tpu.memref_slice %arg3[%add3A_10] : memref<320000xi32, #tpu.memory_space<hbm>> -> memref<80xi32, #tpu.memory_space<hbm>>
    %dma_start3A_13 = tpu.memref_slice %arg3[%add3A_10] : memref<320000xi32, #tpu.memory_space<hbm>> -> memref<80xi32, #tpu.memory_space<hbm>>
    tpu.enqueue_dma source(%dma_start3A_13 : memref<80xi32, #tpu.memory_space<hbm>>) target(%arg14 : memref<80xi32, #tpu.memory_space<vmem>>) target_semaphore(%arg27 : memref<!tpu.dma_semaphore, #tpu.memory_space<semaphore_mem>>)
    %add3A_14 = arith.constant 80 : i32
    %add3A_15 = arith.addi %mul3A_8, %add3A_14 : i32
    %dma_start3A_16 = tpu.memref_slice %arg2[%add3A_15] : memref<320000xi32, #tpu.memory_space<hbm>> -> memref<80xi32, #tpu.memory_space<hbm>>
    %dma_start3A_17 = tpu.memref_slice %arg2[%add3A_15] : memref<320000xi32, #tpu.memory_space<hbm>> -> memref<80xi32, #tpu.memory_space<hbm>>
    tpu.enqueue_dma source(%dma_start3A_17 : memref<80xi32, #tpu.memory_space<hbm>>) target(%arg7 : memref<80xi32, #tpu.memory_space<vmem>>) target_semaphore(%arg28 : memref<!tpu.dma_semaphore, #tpu.memory_space<semaphore_mem>>)
    %dma_start3A_18 = tpu.memref_slice %arg3[%add3A_15] : memref<320000xi32, #tpu.memory_space<hbm>> -> memref<80xi32, #tpu.memory_space<hbm>>
    %dma_start3A_19 = tpu.memref_slice %arg3[%add3A_15] : memref<320000xi32, #tpu.memory_space<hbm>> -> memref<80xi32, #tpu.memory_space<hbm>>
    tpu.enqueue_dma source(%dma_start3A_19 : memref<80xi32, #tpu.memory_space<hbm>>) target(%arg15 : memref<80xi32, #tpu.memory_space<vmem>>) target_semaphore(%arg28 : memref<!tpu.dma_semaphore, #tpu.memory_space<semaphore_mem>>)
    %add3A_20 = arith.constant 160 : i32
    %add3A_21 = arith.addi %mul3A_8, %add3A_20 : i32
    %dma_start3A_22 = tpu.memref_slice %arg2[%add3A_21] : memref<320000xi32, #tpu.memory_space<hbm>> -> memref<80xi32, #tpu.memory_space<hbm>>
    %dma_start3A_23 = tpu.memref_slice %arg2[%add3A_21] : memref<320000xi32, #tpu.memory_space<hbm>> -> memref<80xi32, #tpu.memory_space<hbm>>
    tpu.enqueue_dma source(%dma_start3A_23 : memref<80xi32, #tpu.memory_space<hbm>>) target(%arg8 : memref<80xi32, #tpu.memory_space<vmem>>) target_semaphore(%arg29 : memref<!tpu.dma_semaphore, #tpu.memory_space<semaphore_mem>>)
    %dma_start3A_24 = tpu.memref_slice %arg3[%add3A_21] : memref<320000xi32, #tpu.memory_space<hbm>> -> memref<80xi32, #tpu.memory_space<hbm>>
    %dma_start3A_25 = tpu.memref_slice %arg3[%add3A_21] : memref<320000xi32, #tpu.memory_space<hbm>> -> memref<80xi32, #tpu.memory_space<hbm>>
    tpu.enqueue_dma source(%dma_start3A_25 : memref<80xi32, #tpu.memory_space<hbm>>) target(%arg16 : memref<80xi32, #tpu.memory_space<vmem>>) target_semaphore(%arg29 : memref<!tpu.dma_semaphore, #tpu.memory_space<semaphore_mem>>)
    %add3A_26 = arith.constant 240 : i32
    %add3A_27 = arith.addi %mul3A_8, %add3A_26 : i32
    %dma_start3A_28 = tpu.memref_slice %arg2[%add3A_27] : memref<320000xi32, #tpu.memory_space<hbm>> -> memref<80xi32, #tpu.memory_space<hbm>>
    %dma_start3A_29 = tpu.memref_slice %arg2[%add3A_27] : memref<320000xi32, #tpu.memory_space<hbm>> -> memref<80xi32, #tpu.memory_space<hbm>>
    tpu.enqueue_dma source(%dma_start3A_29 : memref<80xi32, #tpu.memory_space<hbm>>) target(%arg9 : memref<80xi32, #tpu.memory_space<vmem>>) target_semaphore(%arg30 : memref<!tpu.dma_semaphore, #tpu.memory_space<semaphore_mem>>)
    %dma_start3A_30 = tpu.memref_slice %arg3[%add3A_27] : memref<320000xi32, #tpu.memory_space<hbm>> -> memref<80xi32, #tpu.memory_space<hbm>>
    %dma_start3A_31 = tpu.memref_slice %arg3[%add3A_27] : memref<320000xi32, #tpu.memory_space<hbm>> -> memref<80xi32, #tpu.memory_space<hbm>>
    tpu.enqueue_dma source(%dma_start3A_31 : memref<80xi32, #tpu.memory_space<hbm>>) target(%arg17 : memref<80xi32, #tpu.memory_space<vmem>>) target_semaphore(%arg30 : memref<!tpu.dma_semaphore, #tpu.memory_space<semaphore_mem>>)
    %add3A_32 = arith.constant 320 : i32
    %add3A_33 = arith.addi %mul3A_8, %add3A_32 : i32
    %dma_start3A_34 = tpu.memref_slice %arg2[%add3A_33] : memref<320000xi32, #tpu.memory_space<hbm>> -> memref<80xi32, #tpu.memory_space<hbm>>
    %dma_start3A_35 = tpu.memref_slice %arg2[%add3A_33] : memref<320000xi32, #tpu.memory_space<hbm>> -> memref<80xi32, #tpu.memory_space<hbm>>
    tpu.enqueue_dma source(%dma_start3A_35 : memref<80xi32, #tpu.memory_space<hbm>>) target(%arg10 : memref<80xi32, #tpu.memory_space<vmem>>) target_semaphore(%arg31 : memref<!tpu.dma_semaphore, #tpu.memory_space<semaphore_mem>>)
    %dma_start3A_36 = tpu.memref_slice %arg3[%add3A_33] : memref<320000xi32, #tpu.memory_space<hbm>> -> memref<80xi32, #tpu.memory_space<hbm>>
    %dma_start3A_37 = tpu.memref_slice %arg3[%add3A_33] : memref<320000xi32, #tpu.memory_space<hbm>> -> memref<80xi32, #tpu.memory_space<hbm>>
    tpu.enqueue_dma source(%dma_start3A_37 : memref<80xi32, #tpu.memory_space<hbm>>) target(%arg18 : memref<80xi32, #tpu.memory_space<vmem>>) target_semaphore(%arg31 : memref<!tpu.dma_semaphore, #tpu.memory_space<semaphore_mem>>)
    %add3A_38 = arith.constant 400 : i32
    %add3A_39 = arith.addi %mul3A_8, %add3A_38 : i32
    %dma_start3A_40 = tpu.memref_slice %arg2[%add3A_39] : memref<320000xi32, #tpu.memory_space<hbm>> -> memref<80xi32, #tpu.memory_space<hbm>>
    %dma_start3A_41 = tpu.memref_slice %arg2[%add3A_39] : memref<320000xi32, #tpu.memory_space<hbm>> -> memref<80xi32, #tpu.memory_space<hbm>>
    tpu.enqueue_dma source(%dma_start3A_41 : memref<80xi32, #tpu.memory_space<hbm>>) target(%arg11 : memref<80xi32, #tpu.memory_space<vmem>>) target_semaphore(%arg32 : memref<!tpu.dma_semaphore, #tpu.memory_space<semaphore_mem>>)
    %dma_start3A_42 = tpu.memref_slice %arg3[%add3A_39] : memref<320000xi32, #tpu.memory_space<hbm>> -> memref<80xi32, #tpu.memory_space<hbm>>
    %dma_start3A_43 = tpu.memref_slice %arg3[%add3A_39] : memref<320000xi32, #tpu.memory_space<hbm>> -> memref<80xi32, #tpu.memory_space<hbm>>
    tpu.enqueue_dma source(%dma_start3A_43 : memref<80xi32, #tpu.memory_space<hbm>>) target(%arg19 : memref<80xi32, #tpu.memory_space<vmem>>) target_semaphore(%arg32 : memref<!tpu.dma_semaphore, #tpu.memory_space<semaphore_mem>>)
    %add3A_44 = arith.constant 480 : i32
    %add3A_45 = arith.addi %mul3A_8, %add3A_44 : i32
    %dma_start3A_46 = tpu.memref_slice %arg2[%add3A_45] : memref<320000xi32, #tpu.memory_space<hbm>> -> memref<80xi32, #tpu.memory_space<hbm>>
    %dma_start3A_47 = tpu.memref_slice %arg2[%add3A_45] : memref<320000xi32, #tpu.memory_space<hbm>> -> memref<80xi32, #tpu.memory_space<hbm>>
    tpu.enqueue_dma source(%dma_start3A_47 : memref<80xi32, #tpu.memory_space<hbm>>) target(%arg12 : memref<80xi32, #tpu.memory_space<vmem>>) target_semaphore(%arg33 : memref<!tpu.dma_semaphore, #tpu.memory_space<semaphore_mem>>)
    %dma_start3A_48 = tpu.memref_slice %arg3[%add3A_45] : memref<320000xi32, #tpu.memory_space<hbm>> -> memref<80xi32, #tpu.memory_space<hbm>>
    %dma_start3A_49 = tpu.memref_slice %arg3[%add3A_45] : memref<320000xi32, #tpu.memory_space<hbm>> -> memref<80xi32, #tpu.memory_space<hbm>>
    tpu.enqueue_dma source(%dma_start3A_49 : memref<80xi32, #tpu.memory_space<hbm>>) target(%arg20 : memref<80xi32, #tpu.memory_space<vmem>>) target_semaphore(%arg33 : memref<!tpu.dma_semaphore, #tpu.memory_space<semaphore_mem>>)
    %dma_wait3A = arith.constant 0 : i32
    %dma_wait3A_50 = tpu.memref_slice %arg2[%dma_wait3A] : memref<320000xi32, #tpu.memory_space<hbm>> -> memref<80xi32, #tpu.memory_space<hbm>>
    %dma_wait3A_51 = arith.constant 0 : i32
    %dma_wait3A_52 = tpu.memref_slice %arg2[%dma_wait3A_51] : memref<320000xi32, #tpu.memory_space<hbm>> -> memref<80xi32, #tpu.memory_space<hbm>>
    tpu.wait_dma2 semaphore(%arg27 : memref<!tpu.dma_semaphore, #tpu.memory_space<semaphore_mem>>) src(%dma_wait3A_52 : memref<80xi32, #tpu.memory_space<hbm>>) dst(%arg6 : memref<80xi32, #tpu.memory_space<vmem>>)
    %dma_wait3A_53 = arith.constant 0 : i32
    %dma_wait3A_54 = tpu.memref_slice %arg3[%dma_wait3A_53] : memref<320000xi32, #tpu.memory_space<hbm>> -> memref<80xi32, #tpu.memory_space<hbm>>
    %dma_wait3A_55 = arith.constant 0 : i32
    %dma_wait3A_56 = tpu.memref_slice %arg3[%dma_wait3A_55] : memref<320000xi32, #tpu.memory_space<hbm>> -> memref<80xi32, #tpu.memory_space<hbm>>
    tpu.wait_dma2 semaphore(%arg27 : memref<!tpu.dma_semaphore, #tpu.memory_space<semaphore_mem>>) src(%dma_wait3A_56 : memref<80xi32, #tpu.memory_space<hbm>>) dst(%arg14 : memref<80xi32, #tpu.memory_space<vmem>>)
    %dma_start3A_57 = arith.constant 0 : i32
    %dma_start3A_58 = arith.constant 0 : i32
    %dma_start3A_59 = tpu.memref_slice %arg4[%dma_start3A_57, %dma_start3A_58] : memref<10000x128xf32, #tpu.memory_space<hbm>> -> memref<10000x128xf32, #tpu.memory_space<hbm>>
    tpu.enqueue_indirect_dma source(%dma_start3A_59 : memref<10000x128xf32, #tpu.memory_space<hbm>>) target(%arg22 : memref<80x128xf32, #tpu.memory_space<vmem>>) offsets(%arg6 : memref<80xi32, #tpu.memory_space<vmem>>) semaphore(%arg35 : memref<!tpu.dma_semaphore, #tpu.memory_space<semaphore_mem>>)
    %dma_wait3A_60 = arith.constant 0 : i32
    %dma_wait3A_61 = tpu.memref_slice %arg2[%dma_wait3A_60] : memref<320000xi32, #tpu.memory_space<hbm>> -> memref<80xi32, #tpu.memory_space<hbm>>
    %dma_wait3A_62 = arith.constant 0 : i32
    %dma_wait3A_63 = tpu.memref_slice %arg2[%dma_wait3A_62] : memref<320000xi32, #tpu.memory_space<hbm>> -> memref<80xi32, #tpu.memory_space<hbm>>
    tpu.wait_dma2 semaphore(%arg28 : memref<!tpu.dma_semaphore, #tpu.memory_space<semaphore_mem>>) src(%dma_wait3A_63 : memref<80xi32, #tpu.memory_space<hbm>>) dst(%arg7 : memref<80xi32, #tpu.memory_space<vmem>>)
    %dma_wait3A_64 = arith.constant 0 : i32
    %dma_wait3A_65 = tpu.memref_slice %arg3[%dma_wait3A_64] : memref<320000xi32, #tpu.memory_space<hbm>> -> memref<80xi32, #tpu.memory_space<hbm>>
    %dma_wait3A_66 = arith.constant 0 : i32
    %dma_wait3A_67 = tpu.memref_slice %arg3[%dma_wait3A_66] : memref<320000xi32, #tpu.memory_space<hbm>> -> memref<80xi32, #tpu.memory_space<hbm>>
    tpu.wait_dma2 semaphore(%arg28 : memref<!tpu.dma_semaphore, #tpu.memory_space<semaphore_mem>>) src(%dma_wait3A_67 : memref<80xi32, #tpu.memory_space<hbm>>) dst(%arg15 : memref<80xi32, #tpu.memory_space<vmem>>)
    %dma_start3A_68 = arith.constant 0 : i32
    %dma_start3A_69 = arith.constant 0 : i32
    %dma_start3A_70 = tpu.memref_slice %arg4[%dma_start3A_68, %dma_start3A_69] : memref<10000x128xf32, #tpu.memory_space<hbm>> -> memref<10000x128xf32, #tpu.memory_space<hbm>>
    tpu.enqueue_indirect_dma source(%dma_start3A_70 : memref<10000x128xf32, #tpu.memory_space<hbm>>) target(%arg23 : memref<80x128xf32, #tpu.memory_space<vmem>>) offsets(%arg7 : memref<80xi32, #tpu.memory_space<vmem>>) semaphore(%arg36 : memref<!tpu.dma_semaphore, #tpu.memory_space<semaphore_mem>>)
    %dma_wait3A_71 = arith.constant 0 : i32
    %dma_wait3A_72 = tpu.memref_slice %arg2[%dma_wait3A_71] : memref<320000xi32, #tpu.memory_space<hbm>> -> memref<80xi32, #tpu.memory_space<hbm>>
    %dma_wait3A_73 = arith.constant 0 : i32
    %dma_wait3A_74 = tpu.memref_slice %arg2[%dma_wait3A_73] : memref<320000xi32, #tpu.memory_space<hbm>> -> memref<80xi32, #tpu.memory_space<hbm>>
    tpu.wait_dma2 semaphore(%arg29 : memref<!tpu.dma_semaphore, #tpu.memory_space<semaphore_mem>>) src(%dma_wait3A_74 : memref<80xi32, #tpu.memory_space<hbm>>) dst(%arg8 : memref<80xi32, #tpu.memory_space<vmem>>)
    %dma_wait3A_75 = arith.constant 0 : i32
    %dma_wait3A_76 = tpu.memref_slice %arg3[%dma_wait3A_75] : memref<320000xi32, #tpu.memory_space<hbm>> -> memref<80xi32, #tpu.memory_space<hbm>>
    %dma_wait3A_77 = arith.constant 0 : i32
    %dma_wait3A_78 = tpu.memref_slice %arg3[%dma_wait3A_77] : memref<320000xi32, #tpu.memory_space<hbm>> -> memref<80xi32, #tpu.memory_space<hbm>>
    tpu.wait_dma2 semaphore(%arg29 : memref<!tpu.dma_semaphore, #tpu.memory_space<semaphore_mem>>) src(%dma_wait3A_78 : memref<80xi32, #tpu.memory_space<hbm>>) dst(%arg16 : memref<80xi32, #tpu.memory_space<vmem>>)
    %dma_start3A_79 = arith.constant 0 : i32
    %dma_start3A_80 = arith.constant 0 : i32
    %dma_start3A_81 = tpu.memref_slice %arg4[%dma_start3A_79, %dma_start3A_80] : memref<10000x128xf32, #tpu.memory_space<hbm>> -> memref<10000x128xf32, #tpu.memory_space<hbm>>
    tpu.enqueue_indirect_dma source(%dma_start3A_81 : memref<10000x128xf32, #tpu.memory_space<hbm>>) target(%arg24 : memref<80x128xf32, #tpu.memory_space<vmem>>) offsets(%arg8 : memref<80xi32, #tpu.memory_space<vmem>>) semaphore(%arg37 : memref<!tpu.dma_semaphore, #tpu.memory_space<semaphore_mem>>)
    %lt3A_82 = arith.constant 15 : i32
    %lt3A_83 = arith.cmpi slt, %arg1, %lt3A_82 : i32
    %convert_element_type3A_84 = arith.extui %lt3A_83 : i1 to i32
    %cond3A_85 = arith.constant 0 : i32
    %cond3A_86 = arith.cmpi ne, %convert_element_type3A_84, %cond3A_85 : i32
    scf.if %cond3A_86 {
      %dma_wait3A_111 = arith.constant 0 : i32
      %dma_wait3A_112 = arith.constant 0 : i32
      %dma_wait3A_113 = tpu.memref_slice %arg26[%dma_wait3A_111, %dma_wait3A_112] : memref<10000x128xf32, #tpu.memory_space<vmem_shared>> -> memref<640x128xf32, #tpu.memory_space<vmem_shared>>
      %dma_wait3A_114 = arith.constant 0 : i32
      %dma_wait3A_115 = arith.constant 0 : i32
      %dma_wait3A_116 = tpu.memref_slice %arg4[%dma_wait3A_114, %dma_wait3A_115] : memref<10000x128xf32, #tpu.memory_space<hbm>> -> memref<640x128xf32, #tpu.memory_space<hbm>>
      tpu.wait_dma2 semaphore(%arg43 : memref<!tpu.dma_semaphore, #tpu.memory_space<semaphore_mem>>) src(%dma_wait3A_116 : memref<640x128xf32, #tpu.memory_space<hbm>>) dst(%dma_wait3A_113 : memref<640x128xf32, #tpu.memory_space<vmem_shared>>)
    } else {
    }
    %eq3A_87 = arith.constant 15 : i32
    %eq3A_88 = arith.cmpi eq, %arg1, %eq3A_87 : i32
    %convert_element_type3A_89 = arith.extui %eq3A_88 : i1 to i32
    %cond3A_90 = arith.constant 0 : i32
    %cond3A_91 = arith.cmpi ne, %convert_element_type3A_89, %cond3A_90 : i32
    scf.if %cond3A_91 {
      %dma_wait3A_111 = arith.constant 0 : i32
      %dma_wait3A_112 = arith.constant 0 : i32
      %dma_wait3A_113 = tpu.memref_slice %arg26[%dma_wait3A_111, %dma_wait3A_112] : memref<10000x128xf32, #tpu.memory_space<vmem_shared>> -> memref<400x128xf32, #tpu.memory_space<vmem_shared>>
      %dma_wait3A_114 = arith.constant 0 : i32
      %dma_wait3A_115 = arith.constant 0 : i32
      %dma_wait3A_116 = tpu.memref_slice %arg4[%dma_wait3A_114, %dma_wait3A_115] : memref<10000x128xf32, #tpu.memory_space<hbm>> -> memref<400x128xf32, #tpu.memory_space<hbm>>
      tpu.wait_dma2 semaphore(%arg43 : memref<!tpu.dma_semaphore, #tpu.memory_space<semaphore_mem>>) src(%dma_wait3A_116 : memref<400x128xf32, #tpu.memory_space<hbm>>) dst(%dma_wait3A_113 : memref<400x128xf32, #tpu.memory_space<vmem_shared>>)
    } else {
    }
    %barrier3A = arith.constant 0 : index
    tpu.barrier barrier_id(%barrier3A)
    %scan3A = arith.constant 0 : i32
    %scan3A_92 = arith.constant 0 : i32
    %scan3A_93 = arith.constant 125 : i32
    %scan3A_94 = arith.addi %scan3A_92, %scan3A_93 : i32
    %scan3A_95 = arith.constant 1 : i32
    scf.for %scan3A_111 = %scan3A_92 to %scan3A_94 step %scan3A_95  : i32 {
      %jit3A = arith.constant 8 : i32
      %eq3A_112 = arith.constant 0 : i32
      %eq3A_113 = arith.cmpi eq, %jit3A, %eq3A_112 : i32
      %jit3A_114 = arith.constant 1 : i32
      %select_n3A = arith.select %eq3A_113, %jit3A_114, %jit3A : i32
      %rem3A = arith.remsi %scan3A_111, %select_n3A : i32
      %ne3A = arith.constant 0 : i32
      %ne3A_115 = arith.cmpi ne, %rem3A, %ne3A : i32
      %lt3A_116 = arith.constant 0 : i32
      %lt3A_117 = arith.cmpi slt, %rem3A, %lt3A_116 : i32
      %lt3A_118 = arith.constant 0 : i32
      %lt3A_119 = arith.cmpi slt, %select_n3A, %lt3A_118 : i32
      %ne3A_120 = arith.xori %lt3A_117, %lt3A_119 : i1
      %and3A = arith.andi %ne3A_120, %ne3A_115 : i1
      %add3A_121 = arith.addi %rem3A, %select_n3A : i32
      %select_n3A_122 = arith.select %and3A, %add3A_121, %rem3A : i32
      %eq3A_123 = arith.constant 0 : i32
      %eq3A_124 = arith.cmpi eq, %select_n3A_122, %eq3A_123 : i32
      %convert_element_type3A_125 = arith.extui %eq3A_124 : i1 to i32
      %cond3A_126 = arith.constant 0 : i32
      %cond3A_127 = arith.cmpi ne, %convert_element_type3A_125, %cond3A_126 : i32
      scf.if %cond3A_127 {
        %ge3A = arith.constant 1 : i32
        %ge3A_275 = arith.cmpi sge, %scan3A_111, %ge3A : i32
        %convert_element_type3A_276 = arith.extui %ge3A_275 : i1 to i32
        %cond3A_277 = arith.constant 0 : i32
        %cond3A_278 = arith.cmpi ne, %convert_element_type3A_276, %cond3A_277 : i32
        scf.if %cond3A_278 {
          %dma_wait3A_299 = arith.constant 0 : i32
          %dma_wait3A_300 = arith.constant 0 : i32
          %dma_wait3A_301 = tpu.memref_slice %arg26[%dma_wait3A_299, %dma_wait3A_300] : memref<10000x128xf32, #tpu.memory_space<vmem_shared>> -> memref<10000x128xf32, #tpu.memory_space<vmem_shared>>
          tpu.wait_indirect_dma semaphore(%arg42 : memref<!tpu.dma_semaphore, #tpu.memory_space<semaphore_mem>>) src(%arg25 : memref<80x128xf32, #tpu.memory_space<vmem>>) dst(%dma_wait3A_301 : memref<10000x128xf32, #tpu.memory_space<vmem_shared>>)
        } else {
        }
        %add3A_279 = arith.constant 7 : i32
        %add3A_280 = arith.addi %scan3A_111, %add3A_279 : i32
        %lt3A_281 = arith.constant 125 : i32
        %lt3A_282 = arith.cmpi slt, %add3A_280, %lt3A_281 : i32
        %convert_element_type3A_283 = arith.extui %lt3A_282 : i1 to i32
        %cond3A_284 = arith.constant 0 : i32
        %cond3A_285 = arith.cmpi ne, %convert_element_type3A_283, %cond3A_284 : i32
        scf.if %cond3A_285 {
          %add3A_299 = arith.constant 8 : i32
          %add3A_300 = arith.addi %scan3A_111, %add3A_299 : i32
          %sub3A = arith.constant 1 : i32
          %sub3A_301 = arith.subi %add3A_300, %sub3A : i32
          %mul3A_302 = arith.constant 80 : i32
          %mul3A_303 = arith.muli %sub3A_301, %mul3A_302 : i32
          %add3A_304 = arith.addi %mul3A_8, %mul3A_303 : i32
          %dma_start3A_305 = tpu.memref_slice %arg2[%add3A_304] : memref<320000xi32, #tpu.memory_space<hbm>> -> memref<80xi32, #tpu.memory_space<hbm>>
          %dma_start3A_306 = tpu.memref_slice %arg2[%add3A_304] : memref<320000xi32, #tpu.memory_space<hbm>> -> memref<80xi32, #tpu.memory_space<hbm>>
          tpu.enqueue_dma source(%dma_start3A_306 : memref<80xi32, #tpu.memory_space<hbm>>) target(%arg13 : memref<80xi32, #tpu.memory_space<vmem>>) target_semaphore(%arg34 : memref<!tpu.dma_semaphore, #tpu.memory_space<semaphore_mem>>)
          %dma_start3A_307 = tpu.memref_slice %arg3[%add3A_304] : memref<320000xi32, #tpu.memory_space<hbm>> -> memref<80xi32, #tpu.memory_space<hbm>>
          %dma_start3A_308 = tpu.memref_slice %arg3[%add3A_304] : memref<320000xi32, #tpu.memory_space<hbm>> -> memref<80xi32, #tpu.memory_space<hbm>>
          tpu.enqueue_dma source(%dma_start3A_308 : memref<80xi32, #tpu.memory_space<hbm>>) target(%arg21 : memref<80xi32, #tpu.memory_space<vmem>>) target_semaphore(%arg34 : memref<!tpu.dma_semaphore, #tpu.memory_space<semaphore_mem>>)
        } else {
        }
        %dma_wait3A_286 = arith.constant 0 : i32
        %dma_wait3A_287 = arith.constant 0 : i32
        %dma_wait3A_288 = tpu.memref_slice %arg4[%dma_wait3A_286, %dma_wait3A_287] : memref<10000x128xf32, #tpu.memory_space<hbm>> -> memref<10000x128xf32, #tpu.memory_space<hbm>>
        tpu.wait_indirect_dma semaphore(%arg35 : memref<!tpu.dma_semaphore, #tpu.memory_space<semaphore_mem>>) src(%dma_wait3A_288 : memref<10000x128xf32, #tpu.memory_space<hbm>>) dst(%arg22 : memref<80x128xf32, #tpu.memory_space<vmem>>)
        %dma_start3A_289 = arith.constant 0 : i32
        %dma_start3A_290 = arith.constant 0 : i32
        %dma_start3A_291 = tpu.memref_slice %arg26[%dma_start3A_289, %dma_start3A_290] : memref<10000x128xf32, #tpu.memory_space<vmem_shared>> -> memref<10000x128xf32, #tpu.memory_space<vmem_shared>>
        tpu.enqueue_indirect_dma source(%arg22 : memref<80x128xf32, #tpu.memory_space<vmem>>) target(%dma_start3A_291 : memref<10000x128xf32, #tpu.memory_space<vmem_shared>>) offsets(%arg14 : memref<80xi32, #tpu.memory_space<vmem>>) semaphore(%arg39 : memref<!tpu.dma_semaphore, #tpu.memory_space<semaphore_mem>>) {add = true}
        %add3A_292 = arith.constant 3 : i32
        %add3A_293 = arith.addi %scan3A_111, %add3A_292 : i32
        %lt3A_294 = arith.constant 125 : i32
        %lt3A_295 = arith.cmpi slt, %add3A_293, %lt3A_294 : i32
        %convert_element_type3A_296 = arith.extui %lt3A_295 : i1 to i32
        %cond3A_297 = arith.constant 0 : i32
        %cond3A_298 = arith.cmpi ne, %convert_element_type3A_296, %cond3A_297 : i32
        scf.if %cond3A_298 {
          %dma_wait3A_299 = arith.constant 0 : i32
          %dma_wait3A_300 = tpu.memref_slice %arg2[%dma_wait3A_299] : memref<320000xi32, #tpu.memory_space<hbm>> -> memref<80xi32, #tpu.memory_space<hbm>>
          %dma_wait3A_301 = arith.constant 0 : i32
          %dma_wait3A_302 = tpu.memref_slice %arg2[%dma_wait3A_301] : memref<320000xi32, #tpu.memory_space<hbm>> -> memref<80xi32, #tpu.memory_space<hbm>>
          tpu.wait_dma2 semaphore(%arg30 : memref<!tpu.dma_semaphore, #tpu.memory_space<semaphore_mem>>) src(%dma_wait3A_302 : memref<80xi32, #tpu.memory_space<hbm>>) dst(%arg9 : memref<80xi32, #tpu.memory_space<vmem>>)
          %dma_wait3A_303 = arith.constant 0 : i32
          %dma_wait3A_304 = tpu.memref_slice %arg3[%dma_wait3A_303] : memref<320000xi32, #tpu.memory_space<hbm>> -> memref<80xi32, #tpu.memory_space<hbm>>
          %dma_wait3A_305 = arith.constant 0 : i32
          %dma_wait3A_306 = tpu.memref_slice %arg3[%dma_wait3A_305] : memref<320000xi32, #tpu.memory_space<hbm>> -> memref<80xi32, #tpu.memory_space<hbm>>
          tpu.wait_dma2 semaphore(%arg30 : memref<!tpu.dma_semaphore, #tpu.memory_space<semaphore_mem>>) src(%dma_wait3A_306 : memref<80xi32, #tpu.memory_space<hbm>>) dst(%arg17 : memref<80xi32, #tpu.memory_space<vmem>>)
          %dma_start3A_307 = arith.constant 0 : i32
          %dma_start3A_308 = arith.constant 0 : i32
          %dma_start3A_309 = tpu.memref_slice %arg4[%dma_start3A_307, %dma_start3A_308] : memref<10000x128xf32, #tpu.memory_space<hbm>> -> memref<10000x128xf32, #tpu.memory_space<hbm>>
          tpu.enqueue_indirect_dma source(%dma_start3A_309 : memref<10000x128xf32, #tpu.memory_space<hbm>>) target(%arg25 : memref<80x128xf32, #tpu.memory_space<vmem>>) offsets(%arg9 : memref<80xi32, #tpu.memory_space<vmem>>) semaphore(%arg38 : memref<!tpu.dma_semaphore, #tpu.memory_space<semaphore_mem>>)
        } else {
        }
      } else {
      }
      %jit3A_128 = arith.constant 8 : i32
      %eq3A_129 = arith.constant 0 : i32
      %eq3A_130 = arith.cmpi eq, %jit3A_128, %eq3A_129 : i32
      %jit3A_131 = arith.constant 1 : i32
      %select_n3A_132 = arith.select %eq3A_130, %jit3A_131, %jit3A_128 : i32
      %rem3A_133 = arith.remsi %scan3A_111, %select_n3A_132 : i32
      %ne3A_134 = arith.constant 0 : i32
      %ne3A_135 = arith.cmpi ne, %rem3A_133, %ne3A_134 : i32
      %lt3A_136 = arith.constant 0 : i32
      %lt3A_137 = arith.cmpi slt, %rem3A_133, %lt3A_136 : i32
      %lt3A_138 = arith.constant 0 : i32
      %lt3A_139 = arith.cmpi slt, %select_n3A_132, %lt3A_138 : i32
      %ne3A_140 = arith.xori %lt3A_137, %lt3A_139 : i1
      %and3A_141 = arith.andi %ne3A_140, %ne3A_135 : i1
      %add3A_142 = arith.addi %rem3A_133, %select_n3A_132 : i32
      %select_n3A_143 = arith.select %and3A_141, %add3A_142, %rem3A_133 : i32
      %eq3A_144 = arith.constant 1 : i32
      %eq3A_145 = arith.cmpi eq, %select_n3A_143, %eq3A_144 : i32
      %convert_element_type3A_146 = arith.extui %eq3A_145 : i1 to i32
      %cond3A_147 = arith.constant 0 : i32
      %cond3A_148 = arith.cmpi ne, %convert_element_type3A_146, %cond3A_147 : i32
      scf.if %cond3A_148 {
        %ge3A = arith.constant 1 : i32
        %ge3A_275 = arith.cmpi sge, %scan3A_111, %ge3A : i32
        %convert_element_type3A_276 = arith.extui %ge3A_275 : i1 to i32
        %cond3A_277 = arith.constant 0 : i32
        %cond3A_278 = arith.cmpi ne, %convert_element_type3A_276, %cond3A_277 : i32
        scf.if %cond3A_278 {
          %dma_wait3A_299 = arith.constant 0 : i32
          %dma_wait3A_300 = arith.constant 0 : i32
          %dma_wait3A_301 = tpu.memref_slice %arg26[%dma_wait3A_299, %dma_wait3A_300] : memref<10000x128xf32, #tpu.memory_space<vmem_shared>> -> memref<10000x128xf32, #tpu.memory_space<vmem_shared>>
          tpu.wait_indirect_dma semaphore(%arg39 : memref<!tpu.dma_semaphore, #tpu.memory_space<semaphore_mem>>) src(%arg22 : memref<80x128xf32, #tpu.memory_space<vmem>>) dst(%dma_wait3A_301 : memref<10000x128xf32, #tpu.memory_space<vmem_shared>>)
        } else {
        }
        %add3A_279 = arith.constant 7 : i32
        %add3A_280 = arith.addi %scan3A_111, %add3A_279 : i32
        %lt3A_281 = arith.constant 125 : i32
        %lt3A_282 = arith.cmpi slt, %add3A_280, %lt3A_281 : i32
        %convert_element_type3A_283 = arith.extui %lt3A_282 : i1 to i32
        %cond3A_284 = arith.constant 0 : i32
        %cond3A_285 = arith.cmpi ne, %convert_element_type3A_283, %cond3A_284 : i32
        scf.if %cond3A_285 {
          %add3A_299 = arith.constant 8 : i32
          %add3A_300 = arith.addi %scan3A_111, %add3A_299 : i32
          %sub3A = arith.constant 1 : i32
          %sub3A_301 = arith.subi %add3A_300, %sub3A : i32
          %mul3A_302 = arith.constant 80 : i32
          %mul3A_303 = arith.muli %sub3A_301, %mul3A_302 : i32
          %add3A_304 = arith.addi %mul3A_8, %mul3A_303 : i32
          %dma_start3A_305 = tpu.memref_slice %arg2[%add3A_304] : memref<320000xi32, #tpu.memory_space<hbm>> -> memref<80xi32, #tpu.memory_space<hbm>>
          %dma_start3A_306 = tpu.memref_slice %arg2[%add3A_304] : memref<320000xi32, #tpu.memory_space<hbm>> -> memref<80xi32, #tpu.memory_space<hbm>>
          tpu.enqueue_dma source(%dma_start3A_306 : memref<80xi32, #tpu.memory_space<hbm>>) target(%arg6 : memref<80xi32, #tpu.memory_space<vmem>>) target_semaphore(%arg27 : memref<!tpu.dma_semaphore, #tpu.memory_space<semaphore_mem>>)
          %dma_start3A_307 = tpu.memref_slice %arg3[%add3A_304] : memref<320000xi32, #tpu.memory_space<hbm>> -> memref<80xi32, #tpu.memory_space<hbm>>
          %dma_start3A_308 = tpu.memref_slice %arg3[%add3A_304] : memref<320000xi32, #tpu.memory_space<hbm>> -> memref<80xi32, #tpu.memory_space<hbm>>
          tpu.enqueue_dma source(%dma_start3A_308 : memref<80xi32, #tpu.memory_space<hbm>>) target(%arg14 : memref<80xi32, #tpu.memory_space<vmem>>) target_semaphore(%arg27 : memref<!tpu.dma_semaphore, #tpu.memory_space<semaphore_mem>>)
        } else {
        }
        %dma_wait3A_286 = arith.constant 0 : i32
        %dma_wait3A_287 = arith.constant 0 : i32
        %dma_wait3A_288 = tpu.memref_slice %arg4[%dma_wait3A_286, %dma_wait3A_287] : memref<10000x128xf32, #tpu.memory_space<hbm>> -> memref<10000x128xf32, #tpu.memory_space<hbm>>
        tpu.wait_indirect_dma semaphore(%arg36 : memref<!tpu.dma_semaphore, #tpu.memory_space<semaphore_mem>>) src(%dma_wait3A_288 : memref<10000x128xf32, #tpu.memory_space<hbm>>) dst(%arg23 : memref<80x128xf32, #tpu.memory_space<vmem>>)
        %dma_start3A_289 = arith.constant 0 : i32
        %dma_start3A_290 = arith.constant 0 : i32
        %dma_start3A_291 = tpu.memref_slice %arg26[%dma_start3A_289, %dma_start3A_290] : memref<10000x128xf32, #tpu.memory_space<vmem_shared>> -> memref<10000x128xf32, #tpu.memory_space<vmem_shared>>
        tpu.enqueue_indirect_dma source(%arg23 : memref<80x128xf32, #tpu.memory_space<vmem>>) target(%dma_start3A_291 : memref<10000x128xf32, #tpu.memory_space<vmem_shared>>) offsets(%arg15 : memref<80xi32, #tpu.memory_space<vmem>>) semaphore(%arg40 : memref<!tpu.dma_semaphore, #tpu.memory_space<semaphore_mem>>) {add = true}
        %add3A_292 = arith.constant 3 : i32
        %add3A_293 = arith.addi %scan3A_111, %add3A_292 : i32
        %lt3A_294 = arith.constant 125 : i32
        %lt3A_295 = arith.cmpi slt, %add3A_293, %lt3A_294 : i32
        %convert_element_type3A_296 = arith.extui %lt3A_295 : i1 to i32
        %cond3A_297 = arith.constant 0 : i32
        %cond3A_298 = arith.cmpi ne, %convert_element_type3A_296, %cond3A_297 : i32
        scf.if %cond3A_298 {
          %dma_wait3A_299 = arith.constant 0 : i32
          %dma_wait3A_300 = tpu.memref_slice %arg2[%dma_wait3A_299] : memref<320000xi32, #tpu.memory_space<hbm>> -> memref<80xi32, #tpu.memory_space<hbm>>
          %dma_wait3A_301 = arith.constant 0 : i32
          %dma_wait3A_302 = tpu.memref_slice %arg2[%dma_wait3A_301] : memref<320000xi32, #tpu.memory_space<hbm>> -> memref<80xi32, #tpu.memory_space<hbm>>
          tpu.wait_dma2 semaphore(%arg31 : memref<!tpu.dma_semaphore, #tpu.memory_space<semaphore_mem>>) src(%dma_wait3A_302 : memref<80xi32, #tpu.memory_space<hbm>>) dst(%arg10 : memref<80xi32, #tpu.memory_space<vmem>>)
          %dma_wait3A_303 = arith.constant 0 : i32
          %dma_wait3A_304 = tpu.memref_slice %arg3[%dma_wait3A_303] : memref<320000xi32, #tpu.memory_space<hbm>> -> memref<80xi32, #tpu.memory_space<hbm>>
          %dma_wait3A_305 = arith.constant 0 : i32
          %dma_wait3A_306 = tpu.memref_slice %arg3[%dma_wait3A_305] : memref<320000xi32, #tpu.memory_space<hbm>> -> memref<80xi32, #tpu.memory_space<hbm>>
          tpu.wait_dma2 semaphore(%arg31 : memref<!tpu.dma_semaphore, #tpu.memory_space<semaphore_mem>>) src(%dma_wait3A_306 : memref<80xi32, #tpu.memory_space<hbm>>) dst(%arg18 : memref<80xi32, #tpu.memory_space<vmem>>)
          %dma_start3A_307 = arith.constant 0 : i32
          %dma_start3A_308 = arith.constant 0 : i32
          %dma_start3A_309 = tpu.memref_slice %arg4[%dma_start3A_307, %dma_start3A_308] : memref<10000x128xf32, #tpu.memory_space<hbm>> -> memref<10000x128xf32, #tpu.memory_space<hbm>>
          tpu.enqueue_indirect_dma source(%dma_start3A_309 : memref<10000x128xf32, #tpu.memory_space<hbm>>) target(%arg22 : memref<80x128xf32, #tpu.memory_space<vmem>>) offsets(%arg10 : memref<80xi32, #tpu.memory_space<vmem>>) semaphore(%arg35 : memref<!tpu.dma_semaphore, #tpu.memory_space<semaphore_mem>>)
        } else {
        }
      } else {
      }
      %jit3A_149 = arith.constant 8 : i32
      %eq3A_150 = arith.constant 0 : i32
      %eq3A_151 = arith.cmpi eq, %jit3A_149, %eq3A_150 : i32
      %jit3A_152 = arith.constant 1 : i32
      %select_n3A_153 = arith.select %eq3A_151, %jit3A_152, %jit3A_149 : i32
      %rem3A_154 = arith.remsi %scan3A_111, %select_n3A_153 : i32
      %ne3A_155 = arith.constant 0 : i32
      %ne3A_156 = arith.cmpi ne, %rem3A_154, %ne3A_155 : i32
      %lt3A_157 = arith.constant 0 : i32
      %lt3A_158 = arith.cmpi slt, %rem3A_154, %lt3A_157 : i32
      %lt3A_159 = arith.constant 0 : i32
      %lt3A_160 = arith.cmpi slt, %select_n3A_153, %lt3A_159 : i32
      %ne3A_161 = arith.xori %lt3A_158, %lt3A_160 : i1
      %and3A_162 = arith.andi %ne3A_161, %ne3A_156 : i1
      %add3A_163 = arith.addi %rem3A_154, %select_n3A_153 : i32
      %select_n3A_164 = arith.select %and3A_162, %add3A_163, %rem3A_154 : i32
      %eq3A_165 = arith.constant 2 : i32
      %eq3A_166 = arith.cmpi eq, %select_n3A_164, %eq3A_165 : i32
      %convert_element_type3A_167 = arith.extui %eq3A_166 : i1 to i32
      %cond3A_168 = arith.constant 0 : i32
      %cond3A_169 = arith.cmpi ne, %convert_element_type3A_167, %cond3A_168 : i32
      scf.if %cond3A_169 {
        %ge3A = arith.constant 1 : i32
        %ge3A_275 = arith.cmpi sge, %scan3A_111, %ge3A : i32
        %convert_element_type3A_276 = arith.extui %ge3A_275 : i1 to i32
        %cond3A_277 = arith.constant 0 : i32
        %cond3A_278 = arith.cmpi ne, %convert_element_type3A_276, %cond3A_277 : i32
        scf.if %cond3A_278 {
          %dma_wait3A_299 = arith.constant 0 : i32
          %dma_wait3A_300 = arith.constant 0 : i32
          %dma_wait3A_301 = tpu.memref_slice %arg26[%dma_wait3A_299, %dma_wait3A_300] : memref<10000x128xf32, #tpu.memory_space<vmem_shared>> -> memref<10000x128xf32, #tpu.memory_space<vmem_shared>>
          tpu.wait_indirect_dma semaphore(%arg40 : memref<!tpu.dma_semaphore, #tpu.memory_space<semaphore_mem>>) src(%arg23 : memref<80x128xf32, #tpu.memory_space<vmem>>) dst(%dma_wait3A_301 : memref<10000x128xf32, #tpu.memory_space<vmem_shared>>)
        } else {
        }
        %add3A_279 = arith.constant 7 : i32
        %add3A_280 = arith.addi %scan3A_111, %add3A_279 : i32
        %lt3A_281 = arith.constant 125 : i32
        %lt3A_282 = arith.cmpi slt, %add3A_280, %lt3A_281 : i32
        %convert_element_type3A_283 = arith.extui %lt3A_282 : i1 to i32
        %cond3A_284 = arith.constant 0 : i32
        %cond3A_285 = arith.cmpi ne, %convert_element_type3A_283, %cond3A_284 : i32
        scf.if %cond3A_285 {
          %add3A_299 = arith.constant 8 : i32
          %add3A_300 = arith.addi %scan3A_111, %add3A_299 : i32
          %sub3A = arith.constant 1 : i32
          %sub3A_301 = arith.subi %add3A_300, %sub3A : i32
          %mul3A_302 = arith.constant 80 : i32
          %mul3A_303 = arith.muli %sub3A_301, %mul3A_302 : i32
          %add3A_304 = arith.addi %mul3A_8, %mul3A_303 : i32
          %dma_start3A_305 = tpu.memref_slice %arg2[%add3A_304] : memref<320000xi32, #tpu.memory_space<hbm>> -> memref<80xi32, #tpu.memory_space<hbm>>
          %dma_start3A_306 = tpu.memref_slice %arg2[%add3A_304] : memref<320000xi32, #tpu.memory_space<hbm>> -> memref<80xi32, #tpu.memory_space<hbm>>
          tpu.enqueue_dma source(%dma_start3A_306 : memref<80xi32, #tpu.memory_space<hbm>>) target(%arg7 : memref<80xi32, #tpu.memory_space<vmem>>) target_semaphore(%arg28 : memref<!tpu.dma_semaphore, #tpu.memory_space<semaphore_mem>>)
          %dma_start3A_307 = tpu.memref_slice %arg3[%add3A_304] : memref<320000xi32, #tpu.memory_space<hbm>> -> memref<80xi32, #tpu.memory_space<hbm>>
          %dma_start3A_308 = tpu.memref_slice %arg3[%add3A_304] : memref<320000xi32, #tpu.memory_space<hbm>> -> memref<80xi32, #tpu.memory_space<hbm>>
          tpu.enqueue_dma source(%dma_start3A_308 : memref<80xi32, #tpu.memory_space<hbm>>) target(%arg15 : memref<80xi32, #tpu.memory_space<vmem>>) target_semaphore(%arg28 : memref<!tpu.dma_semaphore, #tpu.memory_space<semaphore_mem>>)
        } else {
        }
        %dma_wait3A_286 = arith.constant 0 : i32
        %dma_wait3A_287 = arith.constant 0 : i32
        %dma_wait3A_288 = tpu.memref_slice %arg4[%dma_wait3A_286, %dma_wait3A_287] : memref<10000x128xf32, #tpu.memory_space<hbm>> -> memref<10000x128xf32, #tpu.memory_space<hbm>>
        tpu.wait_indirect_dma semaphore(%arg37 : memref<!tpu.dma_semaphore, #tpu.memory_space<semaphore_mem>>) src(%dma_wait3A_288 : memref<10000x128xf32, #tpu.memory_space<hbm>>) dst(%arg24 : memref<80x128xf32, #tpu.memory_space<vmem>>)
        %dma_start3A_289 = arith.constant 0 : i32
        %dma_start3A_290 = arith.constant 0 : i32
        %dma_start3A_291 = tpu.memref_slice %arg26[%dma_start3A_289, %dma_start3A_290] : memref<10000x128xf32, #tpu.memory_space<vmem_shared>> -> memref<10000x128xf32, #tpu.memory_space<vmem_shared>>
        tpu.enqueue_indirect_dma source(%arg24 : memref<80x128xf32, #tpu.memory_space<vmem>>) target(%dma_start3A_291 : memref<10000x128xf32, #tpu.memory_space<vmem_shared>>) offsets(%arg16 : memref<80xi32, #tpu.memory_space<vmem>>) semaphore(%arg41 : memref<!tpu.dma_semaphore, #tpu.memory_space<semaphore_mem>>) {add = true}
        %add3A_292 = arith.constant 3 : i32
        %add3A_293 = arith.addi %scan3A_111, %add3A_292 : i32
        %lt3A_294 = arith.constant 125 : i32
        %lt3A_295 = arith.cmpi slt, %add3A_293, %lt3A_294 : i32
        %convert_element_type3A_296 = arith.extui %lt3A_295 : i1 to i32
        %cond3A_297 = arith.constant 0 : i32
        %cond3A_298 = arith.cmpi ne, %convert_element_type3A_296, %cond3A_297 : i32
        scf.if %cond3A_298 {
          %dma_wait3A_299 = arith.constant 0 : i32
          %dma_wait3A_300 = tpu.memref_slice %arg2[%dma_wait3A_299] : memref<320000xi32, #tpu.memory_space<hbm>> -> memref<80xi32, #tpu.memory_space<hbm>>
          %dma_wait3A_301 = arith.constant 0 : i32
          %dma_wait3A_302 = tpu.memref_slice %arg2[%dma_wait3A_301] : memref<320000xi32, #tpu.memory_space<hbm>> -> memref<80xi32, #tpu.memory_space<hbm>>
          tpu.wait_dma2 semaphore(%arg32 : memref<!tpu.dma_semaphore, #tpu.memory_space<semaphore_mem>>) src(%dma_wait3A_302 : memref<80xi32, #tpu.memory_space<hbm>>) dst(%arg11 : memref<80xi32, #tpu.memory_space<vmem>>)
          %dma_wait3A_303 = arith.constant 0 : i32
          %dma_wait3A_304 = tpu.memref_slice %arg3[%dma_wait3A_303] : memref<320000xi32, #tpu.memory_space<hbm>> -> memref<80xi32, #tpu.memory_space<hbm>>
          %dma_wait3A_305 = arith.constant 0 : i32
          %dma_wait3A_306 = tpu.memref_slice %arg3[%dma_wait3A_305] : memref<320000xi32, #tpu.memory_space<hbm>> -> memref<80xi32, #tpu.memory_space<hbm>>
          tpu.wait_dma2 semaphore(%arg32 : memref<!tpu.dma_semaphore, #tpu.memory_space<semaphore_mem>>) src(%dma_wait3A_306 : memref<80xi32, #tpu.memory_space<hbm>>) dst(%arg19 : memref<80xi32, #tpu.memory_space<vmem>>)
          %dma_start3A_307 = arith.constant 0 : i32
          %dma_start3A_308 = arith.constant 0 : i32
          %dma_start3A_309 = tpu.memref_slice %arg4[%dma_start3A_307, %dma_start3A_308] : memref<10000x128xf32, #tpu.memory_space<hbm>> -> memref<10000x128xf32, #tpu.memory_space<hbm>>
          tpu.enqueue_indirect_dma source(%dma_start3A_309 : memref<10000x128xf32, #tpu.memory_space<hbm>>) target(%arg23 : memref<80x128xf32, #tpu.memory_space<vmem>>) offsets(%arg11 : memref<80xi32, #tpu.memory_space<vmem>>) semaphore(%arg36 : memref<!tpu.dma_semaphore, #tpu.memory_space<semaphore_mem>>)
        } else {
        }
      } else {
      }
      %jit3A_170 = arith.constant 8 : i32
      %eq3A_171 = arith.constant 0 : i32
      %eq3A_172 = arith.cmpi eq, %jit3A_170, %eq3A_171 : i32
      %jit3A_173 = arith.constant 1 : i32
      %select_n3A_174 = arith.select %eq3A_172, %jit3A_173, %jit3A_170 : i32
      %rem3A_175 = arith.remsi %scan3A_111, %select_n3A_174 : i32
      %ne3A_176 = arith.constant 0 : i32
      %ne3A_177 = arith.cmpi ne, %rem3A_175, %ne3A_176 : i32
      %lt3A_178 = arith.constant 0 : i32
      %lt3A_179 = arith.cmpi slt, %rem3A_175, %lt3A_178 : i32
      %lt3A_180 = arith.constant 0 : i32
      %lt3A_181 = arith.cmpi slt, %select_n3A_174, %lt3A_180 : i32
      %ne3A_182 = arith.xori %lt3A_179, %lt3A_181 : i1
      %and3A_183 = arith.andi %ne3A_182, %ne3A_177 : i1
      %add3A_184 = arith.addi %rem3A_175, %select_n3A_174 : i32
      %select_n3A_185 = arith.select %and3A_183, %add3A_184, %rem3A_175 : i32
      %eq3A_186 = arith.constant 3 : i32
      %eq3A_187 = arith.cmpi eq, %select_n3A_185, %eq3A_186 : i32
      %convert_element_type3A_188 = arith.extui %eq3A_187 : i1 to i32
      %cond3A_189 = arith.constant 0 : i32
      %cond3A_190 = arith.cmpi ne, %convert_element_type3A_188, %cond3A_189 : i32
      scf.if %cond3A_190 {
        %ge3A = arith.constant 1 : i32
        %ge3A_275 = arith.cmpi sge, %scan3A_111, %ge3A : i32
        %convert_element_type3A_276 = arith.extui %ge3A_275 : i1 to i32
        %cond3A_277 = arith.constant 0 : i32
        %cond3A_278 = arith.cmpi ne, %convert_element_type3A_276, %cond3A_277 : i32
        scf.if %cond3A_278 {
          %dma_wait3A_299 = arith.constant 0 : i32
          %dma_wait3A_300 = arith.constant 0 : i32
          %dma_wait3A_301 = tpu.memref_slice %arg26[%dma_wait3A_299, %dma_wait3A_300] : memref<10000x128xf32, #tpu.memory_space<vmem_shared>> -> memref<10000x128xf32, #tpu.memory_space<vmem_shared>>
          tpu.wait_indirect_dma semaphore(%arg41 : memref<!tpu.dma_semaphore, #tpu.memory_space<semaphore_mem>>) src(%arg24 : memref<80x128xf32, #tpu.memory_space<vmem>>) dst(%dma_wait3A_301 : memref<10000x128xf32, #tpu.memory_space<vmem_shared>>)
        } else {
        }
        %add3A_279 = arith.constant 7 : i32
        %add3A_280 = arith.addi %scan3A_111, %add3A_279 : i32
        %lt3A_281 = arith.constant 125 : i32
        %lt3A_282 = arith.cmpi slt, %add3A_280, %lt3A_281 : i32
        %convert_element_type3A_283 = arith.extui %lt3A_282 : i1 to i32
        %cond3A_284 = arith.constant 0 : i32
        %cond3A_285 = arith.cmpi ne, %convert_element_type3A_283, %cond3A_284 : i32
        scf.if %cond3A_285 {
          %add3A_299 = arith.constant 8 : i32
          %add3A_300 = arith.addi %scan3A_111, %add3A_299 : i32
          %sub3A = arith.constant 1 : i32
          %sub3A_301 = arith.subi %add3A_300, %sub3A : i32
          %mul3A_302 = arith.constant 80 : i32
          %mul3A_303 = arith.muli %sub3A_301, %mul3A_302 : i32
          %add3A_304 = arith.addi %mul3A_8, %mul3A_303 : i32
          %dma_start3A_305 = tpu.memref_slice %arg2[%add3A_304] : memref<320000xi32, #tpu.memory_space<hbm>> -> memref<80xi32, #tpu.memory_space<hbm>>
          %dma_start3A_306 = tpu.memref_slice %arg2[%add3A_304] : memref<320000xi32, #tpu.memory_space<hbm>> -> memref<80xi32, #tpu.memory_space<hbm>>
          tpu.enqueue_dma source(%dma_start3A_306 : memref<80xi32, #tpu.memory_space<hbm>>) target(%arg8 : memref<80xi32, #tpu.memory_space<vmem>>) target_semaphore(%arg29 : memref<!tpu.dma_semaphore, #tpu.memory_space<semaphore_mem>>)
          %dma_start3A_307 = tpu.memref_slice %arg3[%add3A_304] : memref<320000xi32, #tpu.memory_space<hbm>> -> memref<80xi32, #tpu.memory_space<hbm>>
          %dma_start3A_308 = tpu.memref_slice %arg3[%add3A_304] : memref<320000xi32, #tpu.memory_space<hbm>> -> memref<80xi32, #tpu.memory_space<hbm>>
          tpu.enqueue_dma source(%dma_start3A_308 : memref<80xi32, #tpu.memory_space<hbm>>) target(%arg16 : memref<80xi32, #tpu.memory_space<vmem>>) target_semaphore(%arg29 : memref<!tpu.dma_semaphore, #tpu.memory_space<semaphore_mem>>)
        } else {
        }
        %dma_wait3A_286 = arith.constant 0 : i32
        %dma_wait3A_287 = arith.constant 0 : i32
        %dma_wait3A_288 = tpu.memref_slice %arg4[%dma_wait3A_286, %dma_wait3A_287] : memref<10000x128xf32, #tpu.memory_space<hbm>> -> memref<10000x128xf32, #tpu.memory_space<hbm>>
        tpu.wait_indirect_dma semaphore(%arg38 : memref<!tpu.dma_semaphore, #tpu.memory_space<semaphore_mem>>) src(%dma_wait3A_288 : memref<10000x128xf32, #tpu.memory_space<hbm>>) dst(%arg25 : memref<80x128xf32, #tpu.memory_space<vmem>>)
        %dma_start3A_289 = arith.constant 0 : i32
        %dma_start3A_290 = arith.constant 0 : i32
        %dma_start3A_291 = tpu.memref_slice %arg26[%dma_start3A_289, %dma_start3A_290] : memref<10000x128xf32, #tpu.memory_space<vmem_shared>> -> memref<10000x128xf32, #tpu.memory_space<vmem_shared>>
        tpu.enqueue_indirect_dma source(%arg25 : memref<80x128xf32, #tpu.memory_space<vmem>>) target(%dma_start3A_291 : memref<10000x128xf32, #tpu.memory_space<vmem_shared>>) offsets(%arg17 : memref<80xi32, #tpu.memory_space<vmem>>) semaphore(%arg42 : memref<!tpu.dma_semaphore, #tpu.memory_space<semaphore_mem>>) {add = true}
        %add3A_292 = arith.constant 3 : i32
        %add3A_293 = arith.addi %scan3A_111, %add3A_292 : i32
        %lt3A_294 = arith.constant 125 : i32
        %lt3A_295 = arith.cmpi slt, %add3A_293, %lt3A_294 : i32
        %convert_element_type3A_296 = arith.extui %lt3A_295 : i1 to i32
        %cond3A_297 = arith.constant 0 : i32
        %cond3A_298 = arith.cmpi ne, %convert_element_type3A_296, %cond3A_297 : i32
        scf.if %cond3A_298 {
          %dma_wait3A_299 = arith.constant 0 : i32
          %dma_wait3A_300 = tpu.memref_slice %arg2[%dma_wait3A_299] : memref<320000xi32, #tpu.memory_space<hbm>> -> memref<80xi32, #tpu.memory_space<hbm>>
          %dma_wait3A_301 = arith.constant 0 : i32
          %dma_wait3A_302 = tpu.memref_slice %arg2[%dma_wait3A_301] : memref<320000xi32, #tpu.memory_space<hbm>> -> memref<80xi32, #tpu.memory_space<hbm>>
          tpu.wait_dma2 semaphore(%arg33 : memref<!tpu.dma_semaphore, #tpu.memory_space<semaphore_mem>>) src(%dma_wait3A_302 : memref<80xi32, #tpu.memory_space<hbm>>) dst(%arg12 : memref<80xi32, #tpu.memory_space<vmem>>)
          %dma_wait3A_303 = arith.constant 0 : i32
          %dma_wait3A_304 = tpu.memref_slice %arg3[%dma_wait3A_303] : memref<320000xi32, #tpu.memory_space<hbm>> -> memref<80xi32, #tpu.memory_space<hbm>>
          %dma_wait3A_305 = arith.constant 0 : i32
          %dma_wait3A_306 = tpu.memref_slice %arg3[%dma_wait3A_305] : memref<320000xi32, #tpu.memory_space<hbm>> -> memref<80xi32, #tpu.memory_space<hbm>>
          tpu.wait_dma2 semaphore(%arg33 : memref<!tpu.dma_semaphore, #tpu.memory_space<semaphore_mem>>) src(%dma_wait3A_306 : memref<80xi32, #tpu.memory_space<hbm>>) dst(%arg20 : memref<80xi32, #tpu.memory_space<vmem>>)
          %dma_start3A_307 = arith.constant 0 : i32
          %dma_start3A_308 = arith.constant 0 : i32
          %dma_start3A_309 = tpu.memref_slice %arg4[%dma_start3A_307, %dma_start3A_308] : memref<10000x128xf32, #tpu.memory_space<hbm>> -> memref<10000x128xf32, #tpu.memory_space<hbm>>
          tpu.enqueue_indirect_dma source(%dma_start3A_309 : memref<10000x128xf32, #tpu.memory_space<hbm>>) target(%arg24 : memref<80x128xf32, #tpu.memory_space<vmem>>) offsets(%arg12 : memref<80xi32, #tpu.memory_space<vmem>>) semaphore(%arg37 : memref<!tpu.dma_semaphore, #tpu.memory_space<semaphore_mem>>)
        } else {
        }
      } else {
      }
      %jit3A_191 = arith.constant 8 : i32
      %eq3A_192 = arith.constant 0 : i32
      %eq3A_193 = arith.cmpi eq, %jit3A_191, %eq3A_192 : i32
      %jit3A_194 = arith.constant 1 : i32
      %select_n3A_195 = arith.select %eq3A_193, %jit3A_194, %jit3A_191 : i32
      %rem3A_196 = arith.remsi %scan3A_111, %select_n3A_195 : i32
      %ne3A_197 = arith.constant 0 : i32
      %ne3A_198 = arith.cmpi ne, %rem3A_196, %ne3A_197 : i32
      %lt3A_199 = arith.constant 0 : i32
      %lt3A_200 = arith.cmpi slt, %rem3A_196, %lt3A_199 : i32
      %lt3A_201 = arith.constant 0 : i32
      %lt3A_202 = arith.cmpi slt, %select_n3A_195, %lt3A_201 : i32
      %ne3A_203 = arith.xori %lt3A_200, %lt3A_202 : i1
      %and3A_204 = arith.andi %ne3A_203, %ne3A_198 : i1
      %add3A_205 = arith.addi %rem3A_196, %select_n3A_195 : i32
      %select_n3A_206 = arith.select %and3A_204, %add3A_205, %rem3A_196 : i32
      %eq3A_207 = arith.constant 4 : i32
      %eq3A_208 = arith.cmpi eq, %select_n3A_206, %eq3A_207 : i32
      %convert_element_type3A_209 = arith.extui %eq3A_208 : i1 to i32
      %cond3A_210 = arith.constant 0 : i32
      %cond3A_211 = arith.cmpi ne, %convert_element_type3A_209, %cond3A_210 : i32
      scf.if %cond3A_211 {
        %ge3A = arith.constant 1 : i32
        %ge3A_275 = arith.cmpi sge, %scan3A_111, %ge3A : i32
        %convert_element_type3A_276 = arith.extui %ge3A_275 : i1 to i32
        %cond3A_277 = arith.constant 0 : i32
        %cond3A_278 = arith.cmpi ne, %convert_element_type3A_276, %cond3A_277 : i32
        scf.if %cond3A_278 {
          %dma_wait3A_299 = arith.constant 0 : i32
          %dma_wait3A_300 = arith.constant 0 : i32
          %dma_wait3A_301 = tpu.memref_slice %arg26[%dma_wait3A_299, %dma_wait3A_300] : memref<10000x128xf32, #tpu.memory_space<vmem_shared>> -> memref<10000x128xf32, #tpu.memory_space<vmem_shared>>
          tpu.wait_indirect_dma semaphore(%arg42 : memref<!tpu.dma_semaphore, #tpu.memory_space<semaphore_mem>>) src(%arg25 : memref<80x128xf32, #tpu.memory_space<vmem>>) dst(%dma_wait3A_301 : memref<10000x128xf32, #tpu.memory_space<vmem_shared>>)
        } else {
        }
        %add3A_279 = arith.constant 7 : i32
        %add3A_280 = arith.addi %scan3A_111, %add3A_279 : i32
        %lt3A_281 = arith.constant 125 : i32
        %lt3A_282 = arith.cmpi slt, %add3A_280, %lt3A_281 : i32
        %convert_element_type3A_283 = arith.extui %lt3A_282 : i1 to i32
        %cond3A_284 = arith.constant 0 : i32
        %cond3A_285 = arith.cmpi ne, %convert_element_type3A_283, %cond3A_284 : i32
        scf.if %cond3A_285 {
          %add3A_299 = arith.constant 8 : i32
          %add3A_300 = arith.addi %scan3A_111, %add3A_299 : i32
          %sub3A = arith.constant 1 : i32
          %sub3A_301 = arith.subi %add3A_300, %sub3A : i32
          %mul3A_302 = arith.constant 80 : i32
          %mul3A_303 = arith.muli %sub3A_301, %mul3A_302 : i32
          %add3A_304 = arith.addi %mul3A_8, %mul3A_303 : i32
          %dma_start3A_305 = tpu.memref_slice %arg2[%add3A_304] : memref<320000xi32, #tpu.memory_space<hbm>> -> memref<80xi32, #tpu.memory_space<hbm>>
          %dma_start3A_306 = tpu.memref_slice %arg2[%add3A_304] : memref<320000xi32, #tpu.memory_space<hbm>> -> memref<80xi32, #tpu.memory_space<hbm>>
          tpu.enqueue_dma source(%dma_start3A_306 : memref<80xi32, #tpu.memory_space<hbm>>) target(%arg9 : memref<80xi32, #tpu.memory_space<vmem>>) target_semaphore(%arg30 : memref<!tpu.dma_semaphore, #tpu.memory_space<semaphore_mem>>)
          %dma_start3A_307 = tpu.memref_slice %arg3[%add3A_304] : memref<320000xi32, #tpu.memory_space<hbm>> -> memref<80xi32, #tpu.memory_space<hbm>>
          %dma_start3A_308 = tpu.memref_slice %arg3[%add3A_304] : memref<320000xi32, #tpu.memory_space<hbm>> -> memref<80xi32, #tpu.memory_space<hbm>>
          tpu.enqueue_dma source(%dma_start3A_308 : memref<80xi32, #tpu.memory_space<hbm>>) target(%arg17 : memref<80xi32, #tpu.memory_space<vmem>>) target_semaphore(%arg30 : memref<!tpu.dma_semaphore, #tpu.memory_space<semaphore_mem>>)
        } else {
        }
        %dma_wait3A_286 = arith.constant 0 : i32
        %dma_wait3A_287 = arith.constant 0 : i32
        %dma_wait3A_288 = tpu.memref_slice %arg4[%dma_wait3A_286, %dma_wait3A_287] : memref<10000x128xf32, #tpu.memory_space<hbm>> -> memref<10000x128xf32, #tpu.memory_space<hbm>>
        tpu.wait_indirect_dma semaphore(%arg35 : memref<!tpu.dma_semaphore, #tpu.memory_space<semaphore_mem>>) src(%dma_wait3A_288 : memref<10000x128xf32, #tpu.memory_space<hbm>>) dst(%arg22 : memref<80x128xf32, #tpu.memory_space<vmem>>)
        %dma_start3A_289 = arith.constant 0 : i32
        %dma_start3A_290 = arith.constant 0 : i32
        %dma_start3A_291 = tpu.memref_slice %arg26[%dma_start3A_289, %dma_start3A_290] : memref<10000x128xf32, #tpu.memory_space<vmem_shared>> -> memref<10000x128xf32, #tpu.memory_space<vmem_shared>>
        tpu.enqueue_indirect_dma source(%arg22 : memref<80x128xf32, #tpu.memory_space<vmem>>) target(%dma_start3A_291 : memref<10000x128xf32, #tpu.memory_space<vmem_shared>>) offsets(%arg18 : memref<80xi32, #tpu.memory_space<vmem>>) semaphore(%arg39 : memref<!tpu.dma_semaphore, #tpu.memory_space<semaphore_mem>>) {add = true}
        %add3A_292 = arith.constant 3 : i32
        %add3A_293 = arith.addi %scan3A_111, %add3A_292 : i32
        %lt3A_294 = arith.constant 125 : i32
        %lt3A_295 = arith.cmpi slt, %add3A_293, %lt3A_294 : i32
        %convert_element_type3A_296 = arith.extui %lt3A_295 : i1 to i32
        %cond3A_297 = arith.constant 0 : i32
        %cond3A_298 = arith.cmpi ne, %convert_element_type3A_296, %cond3A_297 : i32
        scf.if %cond3A_298 {
          %dma_wait3A_299 = arith.constant 0 : i32
          %dma_wait3A_300 = tpu.memref_slice %arg2[%dma_wait3A_299] : memref<320000xi32, #tpu.memory_space<hbm>> -> memref<80xi32, #tpu.memory_space<hbm>>
          %dma_wait3A_301 = arith.constant 0 : i32
          %dma_wait3A_302 = tpu.memref_slice %arg2[%dma_wait3A_301] : memref<320000xi32, #tpu.memory_space<hbm>> -> memref<80xi32, #tpu.memory_space<hbm>>
          tpu.wait_dma2 semaphore(%arg34 : memref<!tpu.dma_semaphore, #tpu.memory_space<semaphore_mem>>) src(%dma_wait3A_302 : memref<80xi32, #tpu.memory_space<hbm>>) dst(%arg13 : memref<80xi32, #tpu.memory_space<vmem>>)
          %dma_wait3A_303 = arith.constant 0 : i32
          %dma_wait3A_304 = tpu.memref_slice %arg3[%dma_wait3A_303] : memref<320000xi32, #tpu.memory_space<hbm>> -> memref<80xi32, #tpu.memory_space<hbm>>
          %dma_wait3A_305 = arith.constant 0 : i32
          %dma_wait3A_306 = tpu.memref_slice %arg3[%dma_wait3A_305] : memref<320000xi32, #tpu.memory_space<hbm>> -> memref<80xi32, #tpu.memory_space<hbm>>
          tpu.wait_dma2 semaphore(%arg34 : memref<!tpu.dma_semaphore, #tpu.memory_space<semaphore_mem>>) src(%dma_wait3A_306 : memref<80xi32, #tpu.memory_space<hbm>>) dst(%arg21 : memref<80xi32, #tpu.memory_space<vmem>>)
          %dma_start3A_307 = arith.constant 0 : i32
          %dma_start3A_308 = arith.constant 0 : i32
          %dma_start3A_309 = tpu.memref_slice %arg4[%dma_start3A_307, %dma_start3A_308] : memref<10000x128xf32, #tpu.memory_space<hbm>> -> memref<10000x128xf32, #tpu.memory_space<hbm>>
          tpu.enqueue_indirect_dma source(%dma_start3A_309 : memref<10000x128xf32, #tpu.memory_space<hbm>>) target(%arg25 : memref<80x128xf32, #tpu.memory_space<vmem>>) offsets(%arg13 : memref<80xi32, #tpu.memory_space<vmem>>) semaphore(%arg38 : memref<!tpu.dma_semaphore, #tpu.memory_space<semaphore_mem>>)
        } else {
        }
      } else {
      }
      %jit3A_212 = arith.constant 8 : i32
      %eq3A_213 = arith.constant 0 : i32
      %eq3A_214 = arith.cmpi eq, %jit3A_212, %eq3A_213 : i32
      %jit3A_215 = arith.constant 1 : i32
      %select_n3A_216 = arith.select %eq3A_214, %jit3A_215, %jit3A_212 : i32
      %rem3A_217 = arith.remsi %scan3A_111, %select_n3A_216 : i32
      %ne3A_218 = arith.constant 0 : i32
      %ne3A_219 = arith.cmpi ne, %rem3A_217, %ne3A_218 : i32
      %lt3A_220 = arith.constant 0 : i32
      %lt3A_221 = arith.cmpi slt, %rem3A_217, %lt3A_220 : i32
      %lt3A_222 = arith.constant 0 : i32
      %lt3A_223 = arith.cmpi slt, %select_n3A_216, %lt3A_222 : i32
      %ne3A_224 = arith.xori %lt3A_221, %lt3A_223 : i1
      %and3A_225 = arith.andi %ne3A_224, %ne3A_219 : i1
      %add3A_226 = arith.addi %rem3A_217, %select_n3A_216 : i32
      %select_n3A_227 = arith.select %and3A_225, %add3A_226, %rem3A_217 : i32
      %eq3A_228 = arith.constant 5 : i32
      %eq3A_229 = arith.cmpi eq, %select_n3A_227, %eq3A_228 : i32
      %convert_element_type3A_230 = arith.extui %eq3A_229 : i1 to i32
      %cond3A_231 = arith.constant 0 : i32
      %cond3A_232 = arith.cmpi ne, %convert_element_type3A_230, %cond3A_231 : i32
      scf.if %cond3A_232 {
        %ge3A = arith.constant 1 : i32
        %ge3A_275 = arith.cmpi sge, %scan3A_111, %ge3A : i32
        %convert_element_type3A_276 = arith.extui %ge3A_275 : i1 to i32
        %cond3A_277 = arith.constant 0 : i32
        %cond3A_278 = arith.cmpi ne, %convert_element_type3A_276, %cond3A_277 : i32
        scf.if %cond3A_278 {
          %dma_wait3A_299 = arith.constant 0 : i32
          %dma_wait3A_300 = arith.constant 0 : i32
          %dma_wait3A_301 = tpu.memref_slice %arg26[%dma_wait3A_299, %dma_wait3A_300] : memref<10000x128xf32, #tpu.memory_space<vmem_shared>> -> memref<10000x128xf32, #tpu.memory_space<vmem_shared>>
          tpu.wait_indirect_dma semaphore(%arg39 : memref<!tpu.dma_semaphore, #tpu.memory_space<semaphore_mem>>) src(%arg22 : memref<80x128xf32, #tpu.memory_space<vmem>>) dst(%dma_wait3A_301 : memref<10000x128xf32, #tpu.memory_space<vmem_shared>>)
        } else {
        }
        %add3A_279 = arith.constant 7 : i32
        %add3A_280 = arith.addi %scan3A_111, %add3A_279 : i32
        %lt3A_281 = arith.constant 125 : i32
        %lt3A_282 = arith.cmpi slt, %add3A_280, %lt3A_281 : i32
        %convert_element_type3A_283 = arith.extui %lt3A_282 : i1 to i32
        %cond3A_284 = arith.constant 0 : i32
        %cond3A_285 = arith.cmpi ne, %convert_element_type3A_283, %cond3A_284 : i32
        scf.if %cond3A_285 {
          %add3A_299 = arith.constant 8 : i32
          %add3A_300 = arith.addi %scan3A_111, %add3A_299 : i32
          %sub3A = arith.constant 1 : i32
          %sub3A_301 = arith.subi %add3A_300, %sub3A : i32
          %mul3A_302 = arith.constant 80 : i32
          %mul3A_303 = arith.muli %sub3A_301, %mul3A_302 : i32
          %add3A_304 = arith.addi %mul3A_8, %mul3A_303 : i32
          %dma_start3A_305 = tpu.memref_slice %arg2[%add3A_304] : memref<320000xi32, #tpu.memory_space<hbm>> -> memref<80xi32, #tpu.memory_space<hbm>>
          %dma_start3A_306 = tpu.memref_slice %arg2[%add3A_304] : memref<320000xi32, #tpu.memory_space<hbm>> -> memref<80xi32, #tpu.memory_space<hbm>>
          tpu.enqueue_dma source(%dma_start3A_306 : memref<80xi32, #tpu.memory_space<hbm>>) target(%arg10 : memref<80xi32, #tpu.memory_space<vmem>>) target_semaphore(%arg31 : memref<!tpu.dma_semaphore, #tpu.memory_space<semaphore_mem>>)
          %dma_start3A_307 = tpu.memref_slice %arg3[%add3A_304] : memref<320000xi32, #tpu.memory_space<hbm>> -> memref<80xi32, #tpu.memory_space<hbm>>
          %dma_start3A_308 = tpu.memref_slice %arg3[%add3A_304] : memref<320000xi32, #tpu.memory_space<hbm>> -> memref<80xi32, #tpu.memory_space<hbm>>
          tpu.enqueue_dma source(%dma_start3A_308 : memref<80xi32, #tpu.memory_space<hbm>>) target(%arg18 : memref<80xi32, #tpu.memory_space<vmem>>) target_semaphore(%arg31 : memref<!tpu.dma_semaphore, #tpu.memory_space<semaphore_mem>>)
        } else {
        }
        %dma_wait3A_286 = arith.constant 0 : i32
        %dma_wait3A_287 = arith.constant 0 : i32
        %dma_wait3A_288 = tpu.memref_slice %arg4[%dma_wait3A_286, %dma_wait3A_287] : memref<10000x128xf32, #tpu.memory_space<hbm>> -> memref<10000x128xf32, #tpu.memory_space<hbm>>
        tpu.wait_indirect_dma semaphore(%arg36 : memref<!tpu.dma_semaphore, #tpu.memory_space<semaphore_mem>>) src(%dma_wait3A_288 : memref<10000x128xf32, #tpu.memory_space<hbm>>) dst(%arg23 : memref<80x128xf32, #tpu.memory_space<vmem>>)
        %dma_start3A_289 = arith.constant 0 : i32
        %dma_start3A_290 = arith.constant 0 : i32
        %dma_start3A_291 = tpu.memref_slice %arg26[%dma_start3A_289, %dma_start3A_290] : memref<10000x128xf32, #tpu.memory_space<vmem_shared>> -> memref<10000x128xf32, #tpu.memory_space<vmem_shared>>
        tpu.enqueue_indirect_dma source(%arg23 : memref<80x128xf32, #tpu.memory_space<vmem>>) target(%dma_start3A_291 : memref<10000x128xf32, #tpu.memory_space<vmem_shared>>) offsets(%arg19 : memref<80xi32, #tpu.memory_space<vmem>>) semaphore(%arg40 : memref<!tpu.dma_semaphore, #tpu.memory_space<semaphore_mem>>) {add = true}
        %add3A_292 = arith.constant 3 : i32
        %add3A_293 = arith.addi %scan3A_111, %add3A_292 : i32
        %lt3A_294 = arith.constant 125 : i32
        %lt3A_295 = arith.cmpi slt, %add3A_293, %lt3A_294 : i32
        %convert_element_type3A_296 = arith.extui %lt3A_295 : i1 to i32
        %cond3A_297 = arith.constant 0 : i32
        %cond3A_298 = arith.cmpi ne, %convert_element_type3A_296, %cond3A_297 : i32
        scf.if %cond3A_298 {
          %dma_wait3A_299 = arith.constant 0 : i32
          %dma_wait3A_300 = tpu.memref_slice %arg2[%dma_wait3A_299] : memref<320000xi32, #tpu.memory_space<hbm>> -> memref<80xi32, #tpu.memory_space<hbm>>
          %dma_wait3A_301 = arith.constant 0 : i32
          %dma_wait3A_302 = tpu.memref_slice %arg2[%dma_wait3A_301] : memref<320000xi32, #tpu.memory_space<hbm>> -> memref<80xi32, #tpu.memory_space<hbm>>
          tpu.wait_dma2 semaphore(%arg27 : memref<!tpu.dma_semaphore, #tpu.memory_space<semaphore_mem>>) src(%dma_wait3A_302 : memref<80xi32, #tpu.memory_space<hbm>>) dst(%arg6 : memref<80xi32, #tpu.memory_space<vmem>>)
          %dma_wait3A_303 = arith.constant 0 : i32
          %dma_wait3A_304 = tpu.memref_slice %arg3[%dma_wait3A_303] : memref<320000xi32, #tpu.memory_space<hbm>> -> memref<80xi32, #tpu.memory_space<hbm>>
          %dma_wait3A_305 = arith.constant 0 : i32
          %dma_wait3A_306 = tpu.memref_slice %arg3[%dma_wait3A_305] : memref<320000xi32, #tpu.memory_space<hbm>> -> memref<80xi32, #tpu.memory_space<hbm>>
          tpu.wait_dma2 semaphore(%arg27 : memref<!tpu.dma_semaphore, #tpu.memory_space<semaphore_mem>>) src(%dma_wait3A_306 : memref<80xi32, #tpu.memory_space<hbm>>) dst(%arg14 : memref<80xi32, #tpu.memory_space<vmem>>)
          %dma_start3A_307 = arith.constant 0 : i32
          %dma_start3A_308 = arith.constant 0 : i32
          %dma_start3A_309 = tpu.memref_slice %arg4[%dma_start3A_307, %dma_start3A_308] : memref<10000x128xf32, #tpu.memory_space<hbm>> -> memref<10000x128xf32, #tpu.memory_space<hbm>>
          tpu.enqueue_indirect_dma source(%dma_start3A_309 : memref<10000x128xf32, #tpu.memory_space<hbm>>) target(%arg22 : memref<80x128xf32, #tpu.memory_space<vmem>>) offsets(%arg6 : memref<80xi32, #tpu.memory_space<vmem>>) semaphore(%arg35 : memref<!tpu.dma_semaphore, #tpu.memory_space<semaphore_mem>>)
        } else {
        }
      } else {
      }
      %jit3A_233 = arith.constant 8 : i32
      %eq3A_234 = arith.constant 0 : i32
      %eq3A_235 = arith.cmpi eq, %jit3A_233, %eq3A_234 : i32
      %jit3A_236 = arith.constant 1 : i32
      %select_n3A_237 = arith.select %eq3A_235, %jit3A_236, %jit3A_233 : i32
      %rem3A_238 = arith.remsi %scan3A_111, %select_n3A_237 : i32
      %ne3A_239 = arith.constant 0 : i32
      %ne3A_240 = arith.cmpi ne, %rem3A_238, %ne3A_239 : i32
      %lt3A_241 = arith.constant 0 : i32
      %lt3A_242 = arith.cmpi slt, %rem3A_238, %lt3A_241 : i32
      %lt3A_243 = arith.constant 0 : i32
      %lt3A_244 = arith.cmpi slt, %select_n3A_237, %lt3A_243 : i32
      %ne3A_245 = arith.xori %lt3A_242, %lt3A_244 : i1
      %and3A_246 = arith.andi %ne3A_245, %ne3A_240 : i1
      %add3A_247 = arith.addi %rem3A_238, %select_n3A_237 : i32
      %select_n3A_248 = arith.select %and3A_246, %add3A_247, %rem3A_238 : i32
      %eq3A_249 = arith.constant 6 : i32
      %eq3A_250 = arith.cmpi eq, %select_n3A_248, %eq3A_249 : i32
      %convert_element_type3A_251 = arith.extui %eq3A_250 : i1 to i32
      %cond3A_252 = arith.constant 0 : i32
      %cond3A_253 = arith.cmpi ne, %convert_element_type3A_251, %cond3A_252 : i32
      scf.if %cond3A_253 {
        %ge3A = arith.constant 1 : i32
        %ge3A_275 = arith.cmpi sge, %scan3A_111, %ge3A : i32
        %convert_element_type3A_276 = arith.extui %ge3A_275 : i1 to i32
        %cond3A_277 = arith.constant 0 : i32
        %cond3A_278 = arith.cmpi ne, %convert_element_type3A_276, %cond3A_277 : i32
        scf.if %cond3A_278 {
          %dma_wait3A_299 = arith.constant 0 : i32
          %dma_wait3A_300 = arith.constant 0 : i32
          %dma_wait3A_301 = tpu.memref_slice %arg26[%dma_wait3A_299, %dma_wait3A_300] : memref<10000x128xf32, #tpu.memory_space<vmem_shared>> -> memref<10000x128xf32, #tpu.memory_space<vmem_shared>>
          tpu.wait_indirect_dma semaphore(%arg40 : memref<!tpu.dma_semaphore, #tpu.memory_space<semaphore_mem>>) src(%arg23 : memref<80x128xf32, #tpu.memory_space<vmem>>) dst(%dma_wait3A_301 : memref<10000x128xf32, #tpu.memory_space<vmem_shared>>)
        } else {
        }
        %add3A_279 = arith.constant 7 : i32
        %add3A_280 = arith.addi %scan3A_111, %add3A_279 : i32
        %lt3A_281 = arith.constant 125 : i32
        %lt3A_282 = arith.cmpi slt, %add3A_280, %lt3A_281 : i32
        %convert_element_type3A_283 = arith.extui %lt3A_282 : i1 to i32
        %cond3A_284 = arith.constant 0 : i32
        %cond3A_285 = arith.cmpi ne, %convert_element_type3A_283, %cond3A_284 : i32
        scf.if %cond3A_285 {
          %add3A_299 = arith.constant 8 : i32
          %add3A_300 = arith.addi %scan3A_111, %add3A_299 : i32
          %sub3A = arith.constant 1 : i32
          %sub3A_301 = arith.subi %add3A_300, %sub3A : i32
          %mul3A_302 = arith.constant 80 : i32
          %mul3A_303 = arith.muli %sub3A_301, %mul3A_302 : i32
          %add3A_304 = arith.addi %mul3A_8, %mul3A_303 : i32
          %dma_start3A_305 = tpu.memref_slice %arg2[%add3A_304] : memref<320000xi32, #tpu.memory_space<hbm>> -> memref<80xi32, #tpu.memory_space<hbm>>
          %dma_start3A_306 = tpu.memref_slice %arg2[%add3A_304] : memref<320000xi32, #tpu.memory_space<hbm>> -> memref<80xi32, #tpu.memory_space<hbm>>
          tpu.enqueue_dma source(%dma_start3A_306 : memref<80xi32, #tpu.memory_space<hbm>>) target(%arg11 : memref<80xi32, #tpu.memory_space<vmem>>) target_semaphore(%arg32 : memref<!tpu.dma_semaphore, #tpu.memory_space<semaphore_mem>>)
          %dma_start3A_307 = tpu.memref_slice %arg3[%add3A_304] : memref<320000xi32, #tpu.memory_space<hbm>> -> memref<80xi32, #tpu.memory_space<hbm>>
          %dma_start3A_308 = tpu.memref_slice %arg3[%add3A_304] : memref<320000xi32, #tpu.memory_space<hbm>> -> memref<80xi32, #tpu.memory_space<hbm>>
          tpu.enqueue_dma source(%dma_start3A_308 : memref<80xi32, #tpu.memory_space<hbm>>) target(%arg19 : memref<80xi32, #tpu.memory_space<vmem>>) target_semaphore(%arg32 : memref<!tpu.dma_semaphore, #tpu.memory_space<semaphore_mem>>)
        } else {
        }
        %dma_wait3A_286 = arith.constant 0 : i32
        %dma_wait3A_287 = arith.constant 0 : i32
        %dma_wait3A_288 = tpu.memref_slice %arg4[%dma_wait3A_286, %dma_wait3A_287] : memref<10000x128xf32, #tpu.memory_space<hbm>> -> memref<10000x128xf32, #tpu.memory_space<hbm>>
        tpu.wait_indirect_dma semaphore(%arg37 : memref<!tpu.dma_semaphore, #tpu.memory_space<semaphore_mem>>) src(%dma_wait3A_288 : memref<10000x128xf32, #tpu.memory_space<hbm>>) dst(%arg24 : memref<80x128xf32, #tpu.memory_space<vmem>>)
        %dma_start3A_289 = arith.constant 0 : i32
        %dma_start3A_290 = arith.constant 0 : i32
        %dma_start3A_291 = tpu.memref_slice %arg26[%dma_start3A_289, %dma_start3A_290] : memref<10000x128xf32, #tpu.memory_space<vmem_shared>> -> memref<10000x128xf32, #tpu.memory_space<vmem_shared>>
        tpu.enqueue_indirect_dma source(%arg24 : memref<80x128xf32, #tpu.memory_space<vmem>>) target(%dma_start3A_291 : memref<10000x128xf32, #tpu.memory_space<vmem_shared>>) offsets(%arg20 : memref<80xi32, #tpu.memory_space<vmem>>) semaphore(%arg41 : memref<!tpu.dma_semaphore, #tpu.memory_space<semaphore_mem>>) {add = true}
        %add3A_292 = arith.constant 3 : i32
        %add3A_293 = arith.addi %scan3A_111, %add3A_292 : i32
        %lt3A_294 = arith.constant 125 : i32
        %lt3A_295 = arith.cmpi slt, %add3A_293, %lt3A_294 : i32
        %convert_element_type3A_296 = arith.extui %lt3A_295 : i1 to i32
        %cond3A_297 = arith.constant 0 : i32
        %cond3A_298 = arith.cmpi ne, %convert_element_type3A_296, %cond3A_297 : i32
        scf.if %cond3A_298 {
          %dma_wait3A_299 = arith.constant 0 : i32
          %dma_wait3A_300 = tpu.memref_slice %arg2[%dma_wait3A_299] : memref<320000xi32, #tpu.memory_space<hbm>> -> memref<80xi32, #tpu.memory_space<hbm>>
          %dma_wait3A_301 = arith.constant 0 : i32
          %dma_wait3A_302 = tpu.memref_slice %arg2[%dma_wait3A_301] : memref<320000xi32, #tpu.memory_space<hbm>> -> memref<80xi32, #tpu.memory_space<hbm>>
          tpu.wait_dma2 semaphore(%arg28 : memref<!tpu.dma_semaphore, #tpu.memory_space<semaphore_mem>>) src(%dma_wait3A_302 : memref<80xi32, #tpu.memory_space<hbm>>) dst(%arg7 : memref<80xi32, #tpu.memory_space<vmem>>)
          %dma_wait3A_303 = arith.constant 0 : i32
          %dma_wait3A_304 = tpu.memref_slice %arg3[%dma_wait3A_303] : memref<320000xi32, #tpu.memory_space<hbm>> -> memref<80xi32, #tpu.memory_space<hbm>>
          %dma_wait3A_305 = arith.constant 0 : i32
          %dma_wait3A_306 = tpu.memref_slice %arg3[%dma_wait3A_305] : memref<320000xi32, #tpu.memory_space<hbm>> -> memref<80xi32, #tpu.memory_space<hbm>>
          tpu.wait_dma2 semaphore(%arg28 : memref<!tpu.dma_semaphore, #tpu.memory_space<semaphore_mem>>) src(%dma_wait3A_306 : memref<80xi32, #tpu.memory_space<hbm>>) dst(%arg15 : memref<80xi32, #tpu.memory_space<vmem>>)
          %dma_start3A_307 = arith.constant 0 : i32
          %dma_start3A_308 = arith.constant 0 : i32
          %dma_start3A_309 = tpu.memref_slice %arg4[%dma_start3A_307, %dma_start3A_308] : memref<10000x128xf32, #tpu.memory_space<hbm>> -> memref<10000x128xf32, #tpu.memory_space<hbm>>
          tpu.enqueue_indirect_dma source(%dma_start3A_309 : memref<10000x128xf32, #tpu.memory_space<hbm>>) target(%arg23 : memref<80x128xf32, #tpu.memory_space<vmem>>) offsets(%arg7 : memref<80xi32, #tpu.memory_space<vmem>>) semaphore(%arg36 : memref<!tpu.dma_semaphore, #tpu.memory_space<semaphore_mem>>)
        } else {
        }
      } else {
      }
      %jit3A_254 = arith.constant 8 : i32
      %eq3A_255 = arith.constant 0 : i32
      %eq3A_256 = arith.cmpi eq, %jit3A_254, %eq3A_255 : i32
      %jit3A_257 = arith.constant 1 : i32
      %select_n3A_258 = arith.select %eq3A_256, %jit3A_257, %jit3A_254 : i32
      %rem3A_259 = arith.remsi %scan3A_111, %select_n3A_258 : i32
      %ne3A_260 = arith.constant 0 : i32
      %ne3A_261 = arith.cmpi ne, %rem3A_259, %ne3A_260 : i32
      %lt3A_262 = arith.constant 0 : i32
      %lt3A_263 = arith.cmpi slt, %rem3A_259, %lt3A_262 : i32
      %lt3A_264 = arith.constant 0 : i32
      %lt3A_265 = arith.cmpi slt, %select_n3A_258, %lt3A_264 : i32
      %ne3A_266 = arith.xori %lt3A_263, %lt3A_265 : i1
      %and3A_267 = arith.andi %ne3A_266, %ne3A_261 : i1
      %add3A_268 = arith.addi %rem3A_259, %select_n3A_258 : i32
      %select_n3A_269 = arith.select %and3A_267, %add3A_268, %rem3A_259 : i32
      %eq3A_270 = arith.constant 7 : i32
      %eq3A_271 = arith.cmpi eq, %select_n3A_269, %eq3A_270 : i32
      %convert_element_type3A_272 = arith.extui %eq3A_271 : i1 to i32
      %cond3A_273 = arith.constant 0 : i32
      %cond3A_274 = arith.cmpi ne, %convert_element_type3A_272, %cond3A_273 : i32
      scf.if %cond3A_274 {
        %ge3A = arith.constant 1 : i32
        %ge3A_275 = arith.cmpi sge, %scan3A_111, %ge3A : i32
        %convert_element_type3A_276 = arith.extui %ge3A_275 : i1 to i32
        %cond3A_277 = arith.constant 0 : i32
        %cond3A_278 = arith.cmpi ne, %convert_element_type3A_276, %cond3A_277 : i32
        scf.if %cond3A_278 {
          %dma_wait3A_299 = arith.constant 0 : i32
          %dma_wait3A_300 = arith.constant 0 : i32
          %dma_wait3A_301 = tpu.memref_slice %arg26[%dma_wait3A_299, %dma_wait3A_300] : memref<10000x128xf32, #tpu.memory_space<vmem_shared>> -> memref<10000x128xf32, #tpu.memory_space<vmem_shared>>
          tpu.wait_indirect_dma semaphore(%arg41 : memref<!tpu.dma_semaphore, #tpu.memory_space<semaphore_mem>>) src(%arg24 : memref<80x128xf32, #tpu.memory_space<vmem>>) dst(%dma_wait3A_301 : memref<10000x128xf32, #tpu.memory_space<vmem_shared>>)
        } else {
        }
        %add3A_279 = arith.constant 7 : i32
        %add3A_280 = arith.addi %scan3A_111, %add3A_279 : i32
        %lt3A_281 = arith.constant 125 : i32
        %lt3A_282 = arith.cmpi slt, %add3A_280, %lt3A_281 : i32
        %convert_element_type3A_283 = arith.extui %lt3A_282 : i1 to i32
        %cond3A_284 = arith.constant 0 : i32
        %cond3A_285 = arith.cmpi ne, %convert_element_type3A_283, %cond3A_284 : i32
        scf.if %cond3A_285 {
          %add3A_299 = arith.constant 8 : i32
          %add3A_300 = arith.addi %scan3A_111, %add3A_299 : i32
          %sub3A = arith.constant 1 : i32
          %sub3A_301 = arith.subi %add3A_300, %sub3A : i32
          %mul3A_302 = arith.constant 80 : i32
          %mul3A_303 = arith.muli %sub3A_301, %mul3A_302 : i32
          %add3A_304 = arith.addi %mul3A_8, %mul3A_303 : i32
          %dma_start3A_305 = tpu.memref_slice %arg2[%add3A_304] : memref<320000xi32, #tpu.memory_space<hbm>> -> memref<80xi32, #tpu.memory_space<hbm>>
          %dma_start3A_306 = tpu.memref_slice %arg2[%add3A_304] : memref<320000xi32, #tpu.memory_space<hbm>> -> memref<80xi32, #tpu.memory_space<hbm>>
          tpu.enqueue_dma source(%dma_start3A_306 : memref<80xi32, #tpu.memory_space<hbm>>) target(%arg12 : memref<80xi32, #tpu.memory_space<vmem>>) target_semaphore(%arg33 : memref<!tpu.dma_semaphore, #tpu.memory_space<semaphore_mem>>)
          %dma_start3A_307 = tpu.memref_slice %arg3[%add3A_304] : memref<320000xi32, #tpu.memory_space<hbm>> -> memref<80xi32, #tpu.memory_space<hbm>>
          %dma_start3A_308 = tpu.memref_slice %arg3[%add3A_304] : memref<320000xi32, #tpu.memory_space<hbm>> -> memref<80xi32, #tpu.memory_space<hbm>>
          tpu.enqueue_dma source(%dma_start3A_308 : memref<80xi32, #tpu.memory_space<hbm>>) target(%arg20 : memref<80xi32, #tpu.memory_space<vmem>>) target_semaphore(%arg33 : memref<!tpu.dma_semaphore, #tpu.memory_space<semaphore_mem>>)
        } else {
        }
        %dma_wait3A_286 = arith.constant 0 : i32
        %dma_wait3A_287 = arith.constant 0 : i32
        %dma_wait3A_288 = tpu.memref_slice %arg4[%dma_wait3A_286, %dma_wait3A_287] : memref<10000x128xf32, #tpu.memory_space<hbm>> -> memref<10000x128xf32, #tpu.memory_space<hbm>>
        tpu.wait_indirect_dma semaphore(%arg38 : memref<!tpu.dma_semaphore, #tpu.memory_space<semaphore_mem>>) src(%dma_wait3A_288 : memref<10000x128xf32, #tpu.memory_space<hbm>>) dst(%arg25 : memref<80x128xf32, #tpu.memory_space<vmem>>)
        %dma_start3A_289 = arith.constant 0 : i32
        %dma_start3A_290 = arith.constant 0 : i32
        %dma_start3A_291 = tpu.memref_slice %arg26[%dma_start3A_289, %dma_start3A_290] : memref<10000x128xf32, #tpu.memory_space<vmem_shared>> -> memref<10000x128xf32, #tpu.memory_space<vmem_shared>>
        tpu.enqueue_indirect_dma source(%arg25 : memref<80x128xf32, #tpu.memory_space<vmem>>) target(%dma_start3A_291 : memref<10000x128xf32, #tpu.memory_space<vmem_shared>>) offsets(%arg21 : memref<80xi32, #tpu.memory_space<vmem>>) semaphore(%arg42 : memref<!tpu.dma_semaphore, #tpu.memory_space<semaphore_mem>>) {add = true}
        %add3A_292 = arith.constant 3 : i32
        %add3A_293 = arith.addi %scan3A_111, %add3A_292 : i32
        %lt3A_294 = arith.constant 125 : i32
        %lt3A_295 = arith.cmpi slt, %add3A_293, %lt3A_294 : i32
        %convert_element_type3A_296 = arith.extui %lt3A_295 : i1 to i32
        %cond3A_297 = arith.constant 0 : i32
        %cond3A_298 = arith.cmpi ne, %convert_element_type3A_296, %cond3A_297 : i32
        scf.if %cond3A_298 {
          %dma_wait3A_299 = arith.constant 0 : i32
          %dma_wait3A_300 = tpu.memref_slice %arg2[%dma_wait3A_299] : memref<320000xi32, #tpu.memory_space<hbm>> -> memref<80xi32, #tpu.memory_space<hbm>>
          %dma_wait3A_301 = arith.constant 0 : i32
          %dma_wait3A_302 = tpu.memref_slice %arg2[%dma_wait3A_301] : memref<320000xi32, #tpu.memory_space<hbm>> -> memref<80xi32, #tpu.memory_space<hbm>>
          tpu.wait_dma2 semaphore(%arg29 : memref<!tpu.dma_semaphore, #tpu.memory_space<semaphore_mem>>) src(%dma_wait3A_302 : memref<80xi32, #tpu.memory_space<hbm>>) dst(%arg8 : memref<80xi32, #tpu.memory_space<vmem>>)
          %dma_wait3A_303 = arith.constant 0 : i32
          %dma_wait3A_304 = tpu.memref_slice %arg3[%dma_wait3A_303] : memref<320000xi32, #tpu.memory_space<hbm>> -> memref<80xi32, #tpu.memory_space<hbm>>
          %dma_wait3A_305 = arith.constant 0 : i32
          %dma_wait3A_306 = tpu.memref_slice %arg3[%dma_wait3A_305] : memref<320000xi32, #tpu.memory_space<hbm>> -> memref<80xi32, #tpu.memory_space<hbm>>
          tpu.wait_dma2 semaphore(%arg29 : memref<!tpu.dma_semaphore, #tpu.memory_space<semaphore_mem>>) src(%dma_wait3A_306 : memref<80xi32, #tpu.memory_space<hbm>>) dst(%arg16 : memref<80xi32, #tpu.memory_space<vmem>>)
          %dma_start3A_307 = arith.constant 0 : i32
          %dma_start3A_308 = arith.constant 0 : i32
          %dma_start3A_309 = tpu.memref_slice %arg4[%dma_start3A_307, %dma_start3A_308] : memref<10000x128xf32, #tpu.memory_space<hbm>> -> memref<10000x128xf32, #tpu.memory_space<hbm>>
          tpu.enqueue_indirect_dma source(%dma_start3A_309 : memref<10000x128xf32, #tpu.memory_space<hbm>>) target(%arg24 : memref<80x128xf32, #tpu.memory_space<vmem>>) offsets(%arg8 : memref<80xi32, #tpu.memory_space<vmem>>) semaphore(%arg37 : memref<!tpu.dma_semaphore, #tpu.memory_space<semaphore_mem>>)
        } else {
        }
      } else {
      }
    }
    %scan3A_96 = arith.constant 125 : i32
    %dma_wait3A_97 = arith.constant 0 : i32
    %dma_wait3A_98 = arith.constant 0 : i32
    %dma_wait3A_99 = tpu.memref_slice %arg26[%dma_wait3A_97, %dma_wait3A_98] : memref<10000x128xf32, #tpu.memory_space<vmem_shared>> -> memref<10000x128xf32, #tpu.memory_space<vmem_shared>>
    tpu.wait_indirect_dma semaphore(%arg39 : memref<!tpu.dma_semaphore, #tpu.memory_space<semaphore_mem>>) src(%arg22 : memref<80x128xf32, #tpu.memory_space<vmem>>) dst(%dma_wait3A_99 : memref<10000x128xf32, #tpu.memory_space<vmem_shared>>)
    %barrier3A_100 = arith.constant 0 : index
    tpu.barrier barrier_id(%barrier3A_100)
    %lt3A_101 = arith.constant 15 : i32
    %lt3A_102 = arith.cmpi slt, %arg1, %lt3A_101 : i32
    %convert_element_type3A_103 = arith.extui %lt3A_102 : i1 to i32
    %cond3A_104 = arith.constant 0 : i32
    %cond3A_105 = arith.cmpi ne, %convert_element_type3A_103, %cond3A_104 : i32
    scf.if %cond3A_105 {
      %mul3A_111 = arith.constant 640 : i32
      %mul3A_112 = arith.muli %arg1, %mul3A_111 : i32
      %mul3A_113 = arith.constant 640 : i32
      %mul3A_114 = arith.muli %arg1, %mul3A_113 : i32
      "tpu.region"() ({
        %run_scoped3A = tpu.sem_alloc : memref<!tpu.dma_semaphore, #tpu.memory_space<semaphore_mem>>
        %dma_start3A_115 = arith.constant 0 : i32
        %dma_start3A_116 = tpu.memref_slice %arg5[%arg0, %mul3A_114, %dma_start3A_115] : memref<2x10000x128xf32, #tpu.memory_space<hbm>> -> memref<1x640x128xf32, #tpu.memory_space<hbm>>
        %dma_start3A_117 = tpu.memref_squeeze %dma_start3A_116 : memref<1x640x128xf32, #tpu.memory_space<hbm>> -> memref<640x128xf32, #tpu.memory_space<hbm>>
        %dma_start3A_118 = arith.constant 0 : i32
        %dma_start3A_119 = tpu.memref_slice %arg26[%mul3A_112, %dma_start3A_118] : memref<10000x128xf32, #tpu.memory_space<vmem_shared>> -> memref<640x128xf32, #tpu.memory_space<vmem_shared>>
        tpu.enqueue_dma source(%dma_start3A_119 : memref<640x128xf32, #tpu.memory_space<vmem_shared>>) target(%dma_start3A_117 : memref<640x128xf32, #tpu.memory_space<hbm>>) target_semaphore(%run_scoped3A : memref<!tpu.dma_semaphore, #tpu.memory_space<semaphore_mem>>)
        %dma_wait3A_120 = arith.constant 0 : i32
        %dma_wait3A_121 = tpu.memref_slice %arg5[%arg0, %mul3A_114, %dma_wait3A_120] : memref<2x10000x128xf32, #tpu.memory_space<hbm>> -> memref<1x640x128xf32, #tpu.memory_space<hbm>>
        %dma_wait3A_122 = tpu.memref_squeeze %dma_wait3A_121 : memref<1x640x128xf32, #tpu.memory_space<hbm>> -> memref<640x128xf32, #tpu.memory_space<hbm>>
        %dma_wait3A_123 = arith.constant 0 : i32
        %dma_wait3A_124 = tpu.memref_slice %arg26[%mul3A_112, %dma_wait3A_123] : memref<10000x128xf32, #tpu.memory_space<vmem_shared>> -> memref<640x128xf32, #tpu.memory_space<vmem_shared>>
        tpu.wait_dma2 semaphore(%run_scoped3A : memref<!tpu.dma_semaphore, #tpu.memory_space<semaphore_mem>>) src(%dma_wait3A_124 : memref<640x128xf32, #tpu.memory_space<vmem_shared>>) dst(%dma_wait3A_122 : memref<640x128xf32, #tpu.memory_space<hbm>>)
        tpu.yield
      }) : () -> ()
    } else {
    }
    %eq3A_106 = arith.constant 15 : i32
    %eq3A_107 = arith.cmpi eq, %arg1, %eq3A_106 : i32
    %convert_element_type3A_108 = arith.extui %eq3A_107 : i1 to i32
    %cond3A_109 = arith.constant 0 : i32
    %cond3A_110 = arith.cmpi ne, %convert_element_type3A_108, %cond3A_109 : i32
    scf.if %cond3A_110 {
      "tpu.region"() ({
        %run_scoped3A = tpu.sem_alloc : memref<!tpu.dma_semaphore, #tpu.memory_space<semaphore_mem>>
        %dma_start3A_111 = arith.constant 9600 : i32
        %dma_start3A_112 = arith.constant 0 : i32
        %dma_start3A_113 = tpu.memref_slice %arg5[%arg0, %dma_start3A_111, %dma_start3A_112] : memref<2x10000x128xf32, #tpu.memory_space<hbm>> -> memref<1x400x128xf32, #tpu.memory_space<hbm>>
        %dma_start3A_114 = tpu.memref_squeeze %dma_start3A_113 : memref<1x400x128xf32, #tpu.memory_space<hbm>> -> memref<400x128xf32, #tpu.memory_space<hbm>>
        %dma_start3A_115 = arith.constant 9600 : i32
        %dma_start3A_116 = arith.constant 0 : i32
        %dma_start3A_117 = tpu.memref_slice %arg26[%dma_start3A_115, %dma_start3A_116] : memref<10000x128xf32, #tpu.memory_space<vmem_shared>> -> memref<400x128xf32, #tpu.memory_space<vmem_shared>>
        tpu.enqueue_dma source(%dma_start3A_117 : memref<400x128xf32, #tpu.memory_space<vmem_shared>>) target(%dma_start3A_114 : memref<400x128xf32, #tpu.memory_space<hbm>>) target_semaphore(%run_scoped3A : memref<!tpu.dma_semaphore, #tpu.memory_space<semaphore_mem>>)
        %dma_wait3A_118 = arith.constant 9600 : i32
        %dma_wait3A_119 = arith.constant 0 : i32
        %dma_wait3A_120 = tpu.memref_slice %arg5[%arg0, %dma_wait3A_118, %dma_wait3A_119] : memref<2x10000x128xf32, #tpu.memory_space<hbm>> -> memref<1x400x128xf32, #tpu.memory_space<hbm>>
        %dma_wait3A_121 = tpu.memref_squeeze %dma_wait3A_120 : memref<1x400x128xf32, #tpu.memory_space<hbm>> -> memref<400x128xf32, #tpu.memory_space<hbm>>
        %dma_wait3A_122 = arith.constant 9600 : i32
        %dma_wait3A_123 = arith.constant 0 : i32
        %dma_wait3A_124 = tpu.memref_slice %arg26[%dma_wait3A_122, %dma_wait3A_123] : memref<10000x128xf32, #tpu.memory_space<vmem_shared>> -> memref<400x128xf32, #tpu.memory_space<vmem_shared>>
        tpu.wait_dma2 semaphore(%run_scoped3A : memref<!tpu.dma_semaphore, #tpu.memory_space<semaphore_mem>>) src(%dma_wait3A_124 : memref<400x128xf32, #tpu.memory_space<vmem_shared>>) dst(%dma_wait3A_121 : memref<400x128xf32, #tpu.memory_space<hbm>>)
        tpu.yield
      }) : () -> ()
    } else {
    }
    return
  }
}

</mosaic_0001>

<sc_bundles>
// kernel: _sc_scatter.3.cloned.1.call-start
scs
__scs_entry_jumppad:
0x0: {  	(pc) =	sbr.rel $0x88, $3  }
0x1: {  	(tag) =	ssettag $0x0;
	lr =	simm.s32 $0x1  }
0x2: {  	[smem:$0x3F9E] =	sst lr;
	_ =	strace $0xD0000000  }
0x3: {  	_ = 	snop  }
0x4: {  	_ = 	snop  }
0x5: {  	_ = 	snop  }
0x6: {  	_ = 	snop  }
0x7: {  	_ = 	snop  }
__scs_overlays_trampoline_lowered:
0x8: {  	[smem:$0x3FAD] =	sst s0  }
0x9: {  	[smem:$0x3FAE] =	sst s1  }
0xa: {  	[smem:$0x3FAF] =	sst s2  }
0xb: {  	[smem:$0x3FB0] =	sst s3  }
0xc: {  	[smem:$0x3FB1] =	sst s4  }
0xd: {  	[smem:$0x3FB2] =	sst s5  }
0xe: {  	[smem:$0x3FB3] =	sst s6  }
0xf: {  	[smem:$0x3FB4] =	sst s7  }
0x10: {  	[smem:$0x3FB5] =	sst s8  }
0x11: {  	[smem:$0x3FB6] =	sst s9;
	s0 =	simm.s32 @!p0 $0x0  }
0x12: {  	s1 =	sld [smem:$0x3F9C];
	s0 =	simm.s32 @p0 $0x1  }
0x13: {  	[smem:$0x3FB7] =	sst s0;
	s0 =	simm.s32 @!p1 $0x0  }
0x14: {  	s2 =	sld [smem:$0x3F9B];
	s0 =	simm.s32 @p1 $0x1  }
0x15: {  	[smem:$0x3FB8] =	sst s0;
	s0 =	simm.s32 @!p2 $0x0  }
0x16: {  	s3 =	sld [smem:$0x3FDB];
	s0 =	simm.s32 @p2 $0x1  }
0x17: {  	s4 =	simm.s32 $0x1BF5;
	[smem:$0x3FBA] =	sst s0  }
0x18: {  	s0 =	sld [smem:$0x3F9D];
	_ =	swait.ge [sflag:s4], $0x0  }
0x19: {  	s7 =	sld [smem:$0x3F9E]  }
0x1a: {  	s8 =	sadd.s32 $0xFFFFE003, lr  }
0x1b: {  	s9 =	sadd.s32 $0xFFFFFEF7, lr;
	s5 =	simm.s32 $0xFFFFFFFF;
	p2 =	slt.u32 s8, $0xFFFFF086  }
0x1c: {  	p1 =	slt.u32 s9, $0xF7A;
	s5 =	simm.s32 @!p2 $0x0  }
0x1d: {  	s5 =	simm.s32 @p1 $0x1;
	p0 =	seq.s32 s7, s2  }
0x1e: {  	s7 =	smul.u32 @!p0 $0xF7A, s2;
	p2 =	seq.s32 @!p0 s5, $0x0  }
0x1f: {  	s9 =	smul.u32 $0xF7A, s1;
	s8 =	simm.s32 @!p0 $0x1BF5;
	p2 =	por !p2, p0  }
0x20: {  	[sflag:s8] =	ssyncset.s32 @!p0 $0xFFFFF086;
	s6 =	sadd.s32 @!p0 s3, s7;
	s7 =	simm.s32 @!p0 $0x108  }
0x21: {  	s3 =	sadd.s32 s3, s9;
	s6 =	sadd.s32 @!p0 $0x88, s6;
	s7 =	simm.s32 @p2 $0x1082  }
0x22: {  	[simem:s7], [sflag:s8] =	dma.local @!p0 [hbm:s6], $0xF7A  }
0x23: {  	s9 =	sor.u32 $0xD0000000, s2;
	s6 =	simm.s32 $0x108;
	_ =	swait.ge @!p0 [sflag:s8], $0x0  }
0x24: {  	s3 =	sadd.s32 $0x88, s3;
	s6 =	simm.s32 @!p1 $0x1082;
	[sflag:s4] =	ssyncset.s32 $0xFFFFF086  }
0x25: {  	[simem:s6], [sflag:s4] =	dma.local [hbm:s3], $0xF7A  }
0x26: {  	[smem:$0x3F9E] =	sst s1;
	(tag) =	ssettag s2;
	_ =	strace s9  }
0x27: {  	s1 =	sld [smem:$0x3FAE]  }
0x28: {  	s2 =	sld [smem:$0x3FAF]  }
0x29: {  	s4 =	sld [smem:$0x3FB1]  }
0x2a: {  	p0 =	seq.s32 s5, $0x0;
	s5 =	sld [smem:$0x3FB2]  }
0x2b: {  	s6 =	sld [smem:$0x3FB3]  }
0x2c: {  	s7 =	sld [smem:$0x3FB4]  }
0x2d: {  	s3 =	simm.s32 $0x108;
	s8 =	sld [smem:$0x3FB5]  }
0x2e: {  	s3 =	simm.s32 @!p0 $0x1082;
	s9 =	sld [smem:$0x3FB6]  }
0x2f: {  	lr =	sadd.s32 s0, s3;
	s0 =	sld [smem:$0x3FAD]  }
0x30: {  	s3 =	sld [smem:$0x3FB0]  }
0x31: {  	[smem:$0x3FB9] =	sst s10  }
0x32: {  	s10 =	sld [smem:$0x3FB7];
	_ =	sdelay $0x3  }
0x33: {  	p0 =	seq.s32 s10, $0x1;
	s10 =	sld [smem:$0x3FB9];
	_ =	sdelay $0x3  }
0x34: {  	[smem:$0x3FB9] =	sst s10  }
0x35: {  	s10 =	sld [smem:$0x3FB8];
	_ =	sdelay $0x3  }
0x36: {  	p1 =	seq.s32 s10, $0x1;
	s10 =	sld [smem:$0x3FB9];
	_ =	sdelay $0x3  }
0x37: {  	[smem:$0x3FB9] =	sst s10  }
0x38: {  	s10 =	sld [smem:$0x3FBA]  }
0x39: {  	_ = 	snop;
	(pc) =	sbr.ind lr, $3  }
0x3a: {  	_ = 	snop  }
0x3b: {  	_ = 	snop  }
0x3c: {  	p2 =	seq.s32 s10, $0x1;
	s10 =	sld [smem:$0x3FB9]  }
0x3d: {  	_ =	shalt  }
0x3e: {  	_ =	shalt  }
0x3f: {  	_ =	shalt  }
0x40: {  	_ =	shalt  }
0x41: {  	_ =	shalt  }
0x42: {  	_ =	shalt  }
0x43: {  	_ =	shalt  }
0x44: {  	_ =	shalt  }
0x45: {  	_ =	shalt  }
0x46: {  	_ =	shalt  }
0x47: {  	_ =	shalt  }
0x48: {  	_ =	shalt  }
0x49: {  	_ =	shalt  }
0x4a: {  	_ =	shalt  }
0x4b: {  	_ =	shalt  }
0x4c: {  	_ =	shalt  }
0x4d: {  	_ =	shalt  }
0x4e: {  	_ =	shalt  }
0x4f: {  	_ =	shalt  }
0x50: {  	_ =	shalt  }
0x51: {  	_ =	shalt  }
0x52: {  	_ =	shalt  }
0x53: {  	_ =	shalt  }
0x54: {  	_ =	shalt  }
0x55: {  	_ =	shalt  }
0x56: {  	_ =	shalt  }
0x57: {  	_ =	shalt  }
0x58: {  	_ =	shalt  }
0x59: {  	_ =	shalt  }
0x5a: {  	_ =	shalt  }
0x5b: {  	_ =	shalt  }
0x5c: {  	_ =	shalt  }
0x5d: {  	_ =	shalt  }
0x5e: {  	_ =	shalt  }
0x5f: {  	_ =	shalt  }
0x60: {  	_ =	shalt  }
0x61: {  	_ =	shalt  }
0x62: {  	_ =	shalt  }
0x63: {  	_ =	shalt  }
0x64: {  	_ =	shalt  }
0x65: {  	_ =	shalt  }
0x66: {  	_ =	shalt  }
0x67: {  	_ =	shalt  }
0x68: {  	_ =	shalt  }
0x69: {  	_ =	shalt  }
0x6a: {  	_ =	shalt  }
0x6b: {  	_ =	shalt  }
0x6c: {  	_ =	shalt  }
0x6d: {  	_ =	shalt  }
0x6e: {  	_ =	shalt  }
0x6f: {  	_ =	shalt  }
0x70: {  	_ =	shalt  }
0x71: {  	_ =	shalt  }
0x72: {  	_ =	shalt  }
0x73: {  	_ =	shalt  }
0x74: {  	_ =	shalt  }
0x75: {  	_ =	shalt  }
0x76: {  	_ =	shalt  }
0x77: {  	_ =	shalt  }
0x78: {  	_ =	shalt  }
0x79: {  	_ =	shalt  }
0x7a: {  	_ =	shalt  }
0x7b: {  	_ =	shalt  }
0x7c: {  	_ =	shalt  }
0x7d: {  	_ =	shalt  }
0x7e: {  	_ =	shalt  }
0x7f: {  	_ =	shalt  }
0x80: {  	_ =	shalt  }
0x81: {  	_ =	shalt  }
0x82: {  	_ =	shalt  }
0x83: {  	_ =	shalt  }
0x84: {  	_ =	shalt  }
0x85: {  	_ =	shalt  }
0x86: {  	_ =	shalt  }
0x87: {  	_ =	shalt  }
.Lfunc_end0:
.L_simem_size_0:
called_computation_lowered:
.L_overlay_start_0:
0x88: {  	s2 =	sld [smem:$0x3FD9]  }
0x89: {  	s3 =	sld [smem:$0x3FFE];
	_ =	sdelay $0x1  }
0x8a: {  	s1 =	srdreg.scid  }
0x8b: {  	s0 =	sand.u32 $0x1, s1  }
0x8c: {  	s18 =	sshll.u32 s0, $0xA;
	s2 =	sadd.s32 s3, s2  }
0x8d: {  	s2 =	sadd.s32 s2, s18  }
0x8e: {  	[smem:$0x3FC5] =	sst s2  }
0x8f: {  	_ = 	snop  }
0x90: {  	s2 =	sld [smem:$0x3FC9]  }
0x91: {  	s19 =	sld [smem:$0x3FC8]  }
0x92: {  	s4 =	sld [smem:$0x3FC7]  }
0x93: {  	s5 =	sld [smem:$0x3FD0];
	(tm) =	ssettm $0x1  }
0x94: {  	s6 =	sld [smem:$0x3FFB];
	_ =	sdelay $0x3  }
0x95: {  	_ =	strace s6  }
0x96: {  	s6 =	sld [smem:$0x3FFC];
	_ =	sdelay $0x3  }
0x97: {  	_ =	strace s6  }
0x98: {  	s6 =	sld [smem:$0x3FFD];
	_ =	sdelay $0x3  }
0x99: {  	_ =	strace s6  }
0x9a: {  	_ =	strace $0x8FFFFFFF  }
0x9b: {  	s20 =	sld [smem:$0x3FDB];
	_ =	sdelay $0x1  }
0x9c: {  	s7 =	simm.s32 $_scs_section_size  }
0x9d: {  	s8 =	simm.s32 $_size__tile_overlayer_lowered;
	s9 =	simm.s32 $_tile_overlayer_lowered  }
0x9e: {  	s23 =	simm.s32 $0x1BFF;
	s22 =	sshll.u32 s9, $0x1;
	s6 =	sadd.s32 s7, s20  }
0x9f: {  	s10 =	simm.s32 $0x0;
	s21 =	sshll.u32 s8, $0x1;
	s8 =	sadd.s32 s22, s6  }
0xa0: {  	[timem:s10], [sflag:s23] =	dma.local [hbm:s8], s21  }
0xa1: {  	_ =	swait.ge [sflag:s23], s21  }
0xa2: {  	s7 =	ssub.s32 $0x0, s21;
	[sflag:s23] =	ssyncset.done $0x0  }
0xa3: {  	[sflag:s23] =	ssyncadd.s32 s7;
	_ =	sdelay $0x1  }
0xa4: {  	s24 =	simm.s32 $0x1B8B  }
0xa5: {  	_ =	swait.ge [sflag:s24], $0x1  }
0xa6: {  	[sflag:s24] =	ssyncset.done $0x0  }
0xa7: {  	s25 =	simm.s32 $0x1B8E;
	[sflag:s24] =	ssyncadd.s32 $0xFFFFFFFF  }
0xa8: {  	s26 =	simm.s32 $execute0_lowered;
	[smem:$0x3FD2] =	sst s25  }
0xa9: {  	s7 =	sshll.u32 s26, $0x1;
	_ =	strace $0x80000046;
	[dreg:$0x1] =	wrdreg $0xFFFFFFFF  }
0xaa: {  	s28 =	simm.s32 $_size_execute0_lowered;
	s6 =	sadd.s32 s6, s7;
	[dreg:$0x0] =	wrdreg $0x0  }
0xab: {  	s7 =	sshll.u32 s28, $0x1;
	[dreg:$0x2] =	wrdreg s6  }
0xac: {  	[dreg:$0x3] =	wrdreg s7  }
0xad: {  	[dreg:$0x4] =	wrdreg $0xC0  }
0xae: {  	_ =	task [dreg:s10], $0x5FFFF  }
0xaf: {  	[dreg:$0x1] =	wrdreg $0xFFFFFFFF  }
0xb0: {  	[dreg:$0x0] =	wrdreg $0x60  }
0xb1: {  	[dreg:$0x2] =	wrdreg s2  }
0xb2: {  	[dreg:$0x3] =	wrdreg s19  }
0xb3: {  	[dreg:$0x4] =	wrdreg s4  }
0xb4: {  	[dreg:$0x5] =	wrdreg s5  }
0xb5: {  	[dreg:$0x6] =	wrdreg $0xA8000  }
0xb6: {  	[dreg:$0x7] =	wrdreg $0x9  }
0xb7: {  	_ =	task.clear_ibuf [dreg:s10], $0x8FFFF;
	_ =	strace $0x90000046  }
0xb8: {  	s29 =	simm.s32 $0x9;
	_ =	strace $0x80000048  }
0xb9: {  	_ =	swait.ge [sflag:s29], $0x1  }
0xba: {  	[sflag:s29] =	ssyncadd.s32 $0xFFFFFFFF  }
0xbb: {  	_ =	strace $0x90000048  }
0xbc: {  	_ =	sfence  }
0xbd: {  	s30 =	sld [smem:$0x0];
	_ =	sdelay $0x2  }
0xbe: {  	s31 =	sshll.u32 s1, $0xD;
	s1 =	sshrl.u32 s1, $0x2  }
0xbf: {  	s3 =	sand.u32 $0x4000, s31;
	s1 =	sadd.s32 s1, s30  }
0xc0: {  	s0 =	sor.u32 s3, s0;
	s1 =	sshll.u32 s1, $0x11  }
0xc1: {  	s0 =	sor.u32 s1, s0  }
0xc2: {  	s0 =	sadd.s32 $0x8F2B, s0  }
0xc3: {  	[sflag:s0] =	ssyncadd.remote.s32 $0x1  }
0xc4: {  	_ =	sfence.sel $0xFFFF  }
0xc5: {  	[dreg:$0x0] =	wrdreg $0xFFFFFFFF;
	(pc) =	sbr.abs _section_cstart, $3  }
0xc6: {  	[dreg:$0x1] =	wrdreg $0xFFFFFFFF  }
0xc7: {  	_ =	task.clear_ibuf [dreg:s10], $0x2FFFF;
	_ =	strace $0x9FFFFFFF  }
0xc8: {  	(tm) =	ssettm $0x7FFFFFFF  }
0xc9: {  	_ =	shalt  }
tec
execute0_lowered:
.L_overlay_start_1:
0x0: {  	(tag) =	ssettag $0x1  }
0x1: {  	s0 =	rddreg [dreg:$0x0]  }
0x2: {  	s2 =	rddreg [dreg:$0x1]  }
0x3: {  	s3 =	srdreg.scid;
	s1 =	rddreg [dreg:$0x2]  }
0x4: {  	s14 =	stileid.u32;
	s6 =	rddreg [dreg:$0x3]  }
0x5: {  	s29 =	simm.s32 $0x400;
	s31 =	simm.s32 $0x480;
	s13 =	smul.u32 $0x14000, s14  }
0x6: {  	s5 =	sand.u32 $0x1, s3;
	s21 =	sshll.u32 s14, $0x1;
	s30 =	smul.u32 $0x4E20, s14  }
0x7: {  	s3 =	rddreg [dreg:$0x4];
	p0 =	seq.s32 s14, $0xF;
	s25 =	smul.u32 $0x138800, s5  }
0x8: {  	s4 =	sor.u32 s5, s21;
	s8 =	ssub.s32 $0x2, s5;
	s5 =	smul.u32 $0x2710, s5  }
0x9: {  	s7 =	smul.u32 $0x2710, s4;
	s4 =	simm.s32 $0x0;
	s9 =	sshrl.u32 s8, $0x1  }
0xa: {  	[smem:$0x7FF] =	sst s4;
	s8 =	ssub.s32 s8, s9;
	s9 =	smul.u32 $0x50000, s14  }
0xb: {  	s5 =	sadd.s32 s5, s30;
	s19 =	sadd.s32 s13, s25;
	s7 =	sshrl.u32 s7, $0x3  }
0xc: {  	s20 =	sshrl.u32 s25, $0x3;
	s30 =	sadd.s32 $0x25800, s1;
	s11 =	sadd.s32 s0, s7  }
0xd: {  	s10 =	sadd.s32 $0xA, s7;
	s22 =	sadd.s32 s2, s7;
	[dreg:$0x6] =	wrdreg s11  }
0xe: {  	s5 =	sadd.s32 $0x230, s5;
	[dreg:$0x7] =	wrdreg s22;
	s23 =	sadd.s32 s0, s10  }
0xf: {  	s24 =	sadd.s32 $0x14, s7;
	s10 =	sadd.s32 s2, s10;
	[dreg:$0x8] =	wrdreg s23  }
0x10: {  	s26 =	sadd.s32 $0x1E, s7;
	s12 =	sadd.s32 s0, s24;
	[dreg:$0x9] =	wrdreg s10  }
0x11: {  	s16 =	sadd.s32 $0x28, s7;
	s28 =	sadd.s32 s0, s26;
	[dreg:$0xa] =	wrdreg s12  }
0x12: {  	s17 =	sadd.s32 $0x32, s7;
	s15 =	sadd.s32 s0, s16;
	[dreg:$0xc] =	wrdreg s28  }
0x13: {  	s7 =	sadd.s32 $0x3C, s7;
	s18 =	sadd.s32 s0, s17;
	[dreg:$0xe] =	wrdreg s15  }
0x14: {  	s5 =	sshrl.u32 s5, $0x3;
	s21 =	sadd.s32 s0, s7;
	[dreg:$0x10] =	wrdreg s18  }
0x15: {  	s7 =	sadd.s32 s2, s7;
	s22 =	smul.u32 $0x2800, s14;
	[dreg:$0x13] =	wrdreg s21  }
0x16: {  	s0 =	sadd.s32 s5, s0;
	s14 =	simm.s32 $0x50;
	[dreg:$0x14] =	wrdreg s7  }
0x17: {  	s10 =	sadd.s32 s2, s24;
	s12 =	sadd.s32 s2, s26;
	[dreg:$0x16] =	wrdreg s0  }
0x18: {  	s23 =	sshrl.u32 s9, $0x2;
	s26 =	smax.u32 s8, $0x1;
	s28 =	sadd.s32 $0x12C000, s3  }
0x19: {  	s8 =	simm.s32 $0x600;
	s15 =	simm.s32 $0x800;
	[dreg:$0xb] =	wrdreg s10  }
0x1a: {  	s18 =	simm.s32 $0x3;
	[dreg:$0xd] =	wrdreg s12;
	s12 =	sadd.s32 s2, s16  }
0x1b: {  	s10 =	sshrl.u32 s19, $0x3;
	[dreg:$0xf] =	wrdreg s12;
	s12 =	sadd.s32 s2, s17  }
0x1c: {  	s21 =	simm.s32 $0xA;
	s10 =	sadd.s32 s6, s10;
	[dreg:$0x11] =	wrdreg s12  }
0x1d: {  	s0 =	sadd.s32 s23, s3;
	s2 =	sadd.s32 s5, s2;
	[dreg:$0x12] =	wrdreg s10  }
0x1e: {  	s24 =	sadd.s32 s1, s22;
	s19 =	simm.s32 $0x5800;
	[dreg:$0x15] =	wrdreg s2  }
0x1f: {  	s6 =	sadd.s32 s6, s20;
	_ =	strace $0x80000047;
	[dreg:$0x17] =	wrdreg s0  }
0x20: {  	s22 =	simm.s32 $0x780;
	s25 =	sadd.s32 $0x25800, s6;
	[dreg:$0x18] =	wrdreg s24  }
.Ltmp0:
0x21: {  	s23 =	simm.s32 $0x9;
	[dreg:$0x19] =	wrdreg s25;
	(pc) =	sbr.rel .LBB2_1-.Ltmp0, $4  }
0x22: {  	s17 =	simm.s32 $0x3000;
	s20 =	simm.s32 $0x0;
	[dreg:$0x1a] =	wrdreg s26  }
0x23: {  	s6 =	simm.s32 $0x580;
	s10 =	simm.s32 $0x680;
	[dreg:$0x1b] =	wrdreg s28  }
0x24: {  	s12 =	simm.s32 $0x700;
	[dreg:$0x1c] =	wrdreg s30;
	s0 =	simm.s32 $0x500  }
0x25: {  	s24 =	simm.s32 $0xB;
	s25 =	simm.s32 $0xC;
	s26 =	simm.s32 $0x8000  }
.LBB2_18:
0x26: {  	s2 =	simm.s32 $0xD  }
0x27: {  	_ =	swait.ge [sflag:s2], $0x2800  }
0x28: {  	[sflag:s2] =	ssyncset.done $0x0  }
0x29: {  	[sflag:s2] =	ssyncadd.s32 $0xFFFFD800  }
0x2a: {  	[bflag:$0x0] =	sbarrier.arrive $0xFFFF  }
0x2b: {  	s2 =	simm.s32 @p0 $0x1FD2;
	s11 =	rddreg [dreg:$0x19]  }
0x2c: {  	[hbm:s11], [sflag:s2] =	dma.local @p0 [spmem:s9], $0x1900  }
0x2d: {  	s2 =	simm.s32 @p0 $0x12  }
0x2e: {  	_ =	swait.ge @p0 [sflag:s2], $0x1900  }
0x2f: {  	[sflag:s2] =	ssyncset.done @p0 $0x0  }
0x30: {  	[sflag:s2] =	ssyncadd.s32 @p0 $0xFFFFE700;
	s2 =	sor.u32 @!p0 $0x1C12, s5;
	s5 =	rddreg [dreg:$0x12]  }
0x31: {  	[hbm:s5], [sflag:s2] =	dma.local @!p0 [spmem:s7], $0x2800  }
0x32: {  	s2 =	simm.s32 @!p0 $0x12  }
0x33: {  	_ =	swait.ge @!p0 [sflag:s2], $0x2800  }
0x34: {  	s20 =	sadd.s32 $0x1, s20;
	s30 =	rddreg [dreg:$0x1a]  }
0x35: {  	p1 =	sne.s32 s20, s30  }
.Ltmp1:
0x36: {  	_ = 	snop;
	(pc) =	sbr.rel @!p1 .LBB2_19-.Ltmp1, $3  }
0x37: {  	_ =	sdelay $0x1  }
0x38: {  	[sflag:s2] =	ssyncset.done @!p0 $0x0  }
0x39: {  	[sflag:s2] =	ssyncadd.s32 @!p0 $0xFFFFD800  }
.LBB2_1:
0x3a: {  	s2 =	rddreg [dreg:$0x1b]  }
0x3b: {  	s5 =	rddreg [dreg:$0x1c];
	s9 =	sshrl.u32 @p0 s2, $0x3;
	s2 =	simm.s32 @p0 $0x1FD1  }
0x3c: {  	[spmem:s9], [sflag:s2] =	dma.local @p0 [hbm:s5], $0x1900  }
0x3d: {  	s2 =	stileid.u32  }
0x3e: {  	s5 =	sshll.u32 @!p0 s2, $0x6;
	s7 =	rddreg [dreg:$0x17]  }
0x3f: {  	s11 =	rddreg [dreg:$0x18];
	s2 =	sor.u32 @!p0 $0x1C11, s5;
	s7 =	sshrl.u32 @!p0 s7, $0x3  }
0x40: {  	[spmem:s7], [sflag:s2] =	dma.local @!p0 [hbm:s11], $0x2800  }
0x41: {  	s2 =	rddreg [dreg:$0x6]  }
0x42: {  	[tilespmem:s4], [sflag:$0x1] =	stream.linear.gather [hbm4b:s2+s4], $0x50, $0x38;
	[tilespmem:$0x1E080] =	vst v63  }
0x43: {  	s13 =	rddreg [dreg:$0x7]  }
0x44: {  	[tilespmem:s29], [sflag:$0x1] =	stream.linear.gather [hbm4b:s13+s4], $0x50, $0x38;
	[tilespmem:$0x1E080] =	vst v63  }
0x45: {  	s11 =	simm.s32 $0x80;
	s16 =	rddreg [dreg:$0x8]  }
0x46: {  	[tilespmem:s11], [sflag:$0x2] =	stream.linear.gather [hbm4b:s16+s4], $0x50, $0x38;
	[tilespmem:$0x1E080] =	vst v63  }
0x47: {  	s13 =	rddreg [dreg:$0x9]  }
0x48: {  	[tilespmem:s31], [sflag:$0x2] =	stream.linear.gather [hbm4b:s13+s4], $0x50, $0x38;
	[tilespmem:$0x1E080] =	vst v63  }
0x49: {  	s16 =	rddreg [dreg:$0xa];
	s13 =	simm.s32 $0x100  }
0x4a: {  	[tilespmem:s13], [sflag:$0x3] =	stream.linear.gather [hbm4b:s16+s4], $0x50, $0x38;
	[tilespmem:$0x1E080] =	vst v63  }
0x4b: {  	s16 =	rddreg [dreg:$0xb]  }
0x4c: {  	[tilespmem:s0], [sflag:$0x3] =	stream.linear.gather [hbm4b:s16+s4], $0x50, $0x38;
	[tilespmem:$0x1E080] =	vst v63  }
0x4d: {  	s2 =	rddreg [dreg:$0xc];
	s16 =	simm.s32 $0x180  }
0x4e: {  	[tilespmem:s16], [sflag:$0x4] =	stream.linear.gather [hbm4b:s2+s4], $0x50, $0x38;
	[tilespmem:$0x1E080] =	vst v63  }
0x4f: {  	s16 =	rddreg [dreg:$0xd]  }
0x50: {  	[tilespmem:s6], [sflag:$0x4] =	stream.linear.gather [hbm4b:s16+s4], $0x50, $0x38;
	[tilespmem:$0x1E080] =	vst v63  }
0x51: {  	s2 =	rddreg [dreg:$0xe];
	s16 =	simm.s32 $0x200  }
0x52: {  	[tilespmem:s16], [sflag:$0x5] =	stream.linear.gather [hbm4b:s2+s4], $0x50, $0x38;
	[tilespmem:$0x1E080] =	vst v63  }
0x53: {  	s16 =	rddreg [dreg:$0xf]  }
0x54: {  	[tilespmem:s8], [sflag:$0x5] =	stream.linear.gather [hbm4b:s16+s4], $0x50, $0x38;
	[tilespmem:$0x1E080] =	vst v63  }
0x55: {  	s2 =	rddreg [dreg:$0x10];
	s16 =	simm.s32 $0x280  }
0x56: {  	[tilespmem:s16], [sflag:$0x6] =	stream.linear.gather [hbm4b:s2+s4], $0x50, $0x38;
	[tilespmem:$0x1E080] =	vst v63  }
0x57: {  	s16 =	rddreg [dreg:$0x11]  }
0x58: {  	[tilespmem:s10], [sflag:$0x6] =	stream.linear.gather [hbm4b:s16+s4], $0x50, $0x38;
	[tilespmem:$0x1E080] =	vst v63  }
0x59: {  	s2 =	rddreg [dreg:$0x13];
	s16 =	simm.s32 $0x300  }
0x5a: {  	[tilespmem:s16], [sflag:$0x7] =	stream.linear.gather [hbm4b:s2+s4], $0x50, $0x38;
	[tilespmem:$0x1E080] =	vst v63  }
0x5b: {  	s16 =	rddreg [dreg:$0x14]  }
0x5c: {  	[tilespmem:s12], [sflag:$0x7] =	stream.linear.gather [hbm4b:s16+s4], $0x50, $0x38;
	[tilespmem:$0x1E080] =	vst v63  }
0x5d: {  	s16 =	simm.s32 $0x1  }
0x5e: {  	_ =	swait.ge [sflag:s16], $0x50  }
0x5f: {  	[sflag:s16] =	ssyncset.done $0x0  }
0x60: {  	[sflag:s16] =	ssyncadd.s32 $0xFFFFFFB0  }
0x61: {  	_ =	swait.ge [sflag:s16], $0x50  }
0x62: {  	[sflag:s16] =	ssyncset.done $0x0  }
0x63: {  	[sflag:s16] =	ssyncadd.s32 $0xFFFFFFB0;
	s16 =	simm.s32 $0x2  }
0x64: {  	[tilespmem:s15], [sflag:$0x9] =	stream.indirect.gather [hbm4b:s1+s14], $0x80, s4, s14, $0xb8;
	[tilespmem:$0x1E080] =	vst v63  }
0x65: {  	_ =	swait.ge [sflag:s16], $0x50  }
0x66: {  	[sflag:s16] =	ssyncset.done $0x0  }
0x67: {  	[sflag:s16] =	ssyncadd.s32 $0xFFFFFFB0  }
0x68: {  	_ =	swait.ge [sflag:s16], $0x50  }
0x69: {  	[sflag:s16] =	ssyncset.done $0x0  }
0x6a: {  	[sflag:s16] =	ssyncadd.s32 $0xFFFFFFB0  }
0x6b: {  	[tilespmem:s17], [sflag:$0xA] =	stream.indirect.gather [hbm4b:s1+s14], $0x80, s11, s14, $0xb8;
	[tilespmem:$0x1E080] =	vst v63  }
0x6c: {  	_ =	swait.ge [sflag:s18], $0x50  }
0x6d: {  	[sflag:s18] =	ssyncset.done $0x0  }
0x6e: {  	[sflag:s18] =	ssyncadd.s32 $0xFFFFFFB0  }
0x6f: {  	_ =	swait.ge [sflag:s18], $0x50  }
0x70: {  	[sflag:s18] =	ssyncset.done $0x0  }
0x71: {  	s2 =	simm.s32 @p0 $0x11;
	[sflag:s18] =	ssyncadd.s32 $0xFFFFFFB0  }
0x72: {  	[tilespmem:s19], [sflag:$0xB] =	stream.indirect.gather [hbm4b:s1+s14], $0x80, s13, s14, $0xb8;
	[tilespmem:$0x1E080] =	vst v63  }
0x73: {  	_ =	swait.ge @p0 [sflag:s2], $0x1900  }
0x74: {  	[sflag:s2] =	ssyncset.done @p0 $0x0  }
0x75: {  	[sflag:s2] =	ssyncadd.s32 @p0 $0xFFFFE700;
	s2 =	simm.s32 @!p0 $0x11  }
0x76: {  	_ =	swait.ge @!p0 [sflag:s2], $0x2800  }
.Ltmp2:
0x77: {  	[sflag:s2] =	ssyncset.done @!p0 $0x0;
	(pc) =	sbr.rel .LBB2_2-.Ltmp2, $4  }
0x78: {  	[sflag:s2] =	ssyncadd.s32 @!p0 $0xFFFFD800  }
0x79: {  	[bflag:$0x0] =	sbarrier.arrive $0xFFFF  }
0x7a: {  	s11 =	rddreg [dreg:$0x16]  }
0x7b: {  	s30 =	simm.s32 $0x0;
	s28 =	rddreg [dreg:$0x15]  }
.LBB2_16:
0x7c: {  	s2 =	simm.s32 @!p1 $0xF  }
0x7d: {  	_ =	swait.ge @!p1 [sflag:s2], $0x2800  }
0x7e: {  	p2 =	por p1, !p2;
	[sflag:s2] =	ssyncset.done @!p1 $0x0  }
0x7f: {  	[sflag:s2] =	ssyncadd.s32 @!p1 $0xFFFFD800;
	s2 =	simm.s32 @p2 $0x300  }
0x80: {  	[tilespmem:s2], [sflag:$0x7] =	stream.linear.gather @p2 [hbm4b:s11+s4], $0x50, $0x38;
	[tilespmem:$0x1E080] =	vst v63  }
0x81: {  	_ = 	snop  }
0x82: {  	[tilespmem:s12], [sflag:$0x7] =	stream.linear.gather @p2 [hbm4b:s28+s4], $0x50, $0x38;
	[tilespmem:$0x1E080] =	vst v63  }
0x83: {  	_ =	swait.ge [sflag:s25], $0x2800  }
0x84: {  	p1 =	sgt.u32 s30, $0x79;
	[sflag:s25] =	ssyncset.done $0x0  }
0x85: {  	s2 =	simm.s32 @!p1 $0x3;
	[sflag:s25] =	ssyncadd.s32 $0xFFFFD800  }
0x86: {  	[spmem:s3] =	stream.indirect.scatter.add.f32 [tilespmem:s26], [sflag:$0x10], $0x80, s22, s14, $0xb8;
	[tilespmem:$0x1E080] =	vst v63  }
0x87: {  	_ =	swait.ge @!p1 [sflag:s2], $0x50  }
0x88: {  	[sflag:s2] =	ssyncset.done @!p1 $0x0  }
0x89: {  	[sflag:s2] =	ssyncadd.s32 @!p1 $0xFFFFFFB0  }
0x8a: {  	_ =	swait.ge @!p1 [sflag:s2], $0x50  }
0x8b: {  	s13 =	simm.s32 @!p1 $0x100;
	[sflag:s2] =	ssyncset.done @!p1 $0x0  }
0x8c: {  	s16 =	simm.s32 @!p1 $0x5800;
	[sflag:s2] =	ssyncadd.s32 @!p1 $0xFFFFFFB0;
	s2 =	simm.s32 @!p1 $0x50  }
0x8d: {  	[tilespmem:s16], [sflag:$0xB] =	stream.indirect.gather @!p1 [hbm4b:s1+s2], $0x80, s13, s2, $0xb8;
	[tilespmem:$0x1E080] =	vst v63  }
.LBB2_17:
0x8e: {  	s30 =	sadd.s32 $0x1, s30  }
0x8f: {  	p1 =	sne.s32 s30, $0x7D  }
.Ltmp3:
0x90: {  	_ = 	snop;
	(pc) =	sbr.rel @!p1 .LBB2_18-.Ltmp3, $2  }
0x91: {  	_ =	sdelay $0x2  }
0x92: {  	s28 =	sadd.s32 $0xA, s28;
	s11 =	sadd.s32 $0xA, s11  }
.LBB2_2:
0x93: {  	s2 =	sand.u32 $0x7, s30  }
0x94: {  	p1 =	sgt.s32 s2, $0x3  }
.Ltmp4:
0x95: {  	_ = 	snop;
	(pc) =	sbr.rel @p1 .LBB2_6-.Ltmp4, $1  }
0x96: {  	_ =	sdelay $0x3  }
0x97: {  	p1 =	sgt.s32 s2, $0x1  }
.Ltmp5:
0x98: {  	_ = 	snop;
	(pc) =	sbr.rel @p1 .LBB2_11-.Ltmp5, $1  }
0x99: {  	_ =	sdelay $0x3  }
0x9a: {  	p1 =	seq.s32 s2, $0x0  }
.Ltmp6:
0x9b: {  	_ = 	snop;
	(pc) =	sbr.rel @!p1 .LBB2_9-.Ltmp6, $1  }
0x9c: {  	_ =	sdelay $0x3  }
0x9d: {  	p1 =	seq.s32 s30, $0x0  }
0x9e: {  	s2 =	simm.s32 @!p1 $0x10  }
0x9f: {  	p2 =	sgt.u32 @!p1 s30, $0x75;
	_ =	swait.ge @!p1 [sflag:s2], $0x2800  }
0xa0: {  	p2 =	por p1, !p2;
	[sflag:s2] =	ssyncset.done @!p1 $0x0  }
0xa1: {  	[sflag:s2] =	ssyncadd.s32 @!p1 $0xFFFFD800;
	s2 =	simm.s32 @p2 $0x380  }
0xa2: {  	[tilespmem:s2], [sflag:$0x8] =	stream.linear.gather @p2 [hbm4b:s11+s4], $0x50, $0x38;
	[tilespmem:$0x1E080] =	vst v63  }
0xa3: {  	_ = 	snop  }
0xa4: {  	[tilespmem:s22], [sflag:$0x8] =	stream.linear.gather @p2 [hbm4b:s28+s4], $0x50, $0x38;
	[tilespmem:$0x1E080] =	vst v63  }
0xa5: {  	_ =	swait.ge [sflag:s23], $0x2800  }
0xa6: {  	p1 =	sgt.u32 s30, $0x79;
	[sflag:s23] =	ssyncset.done $0x0  }
0xa7: {  	s2 =	simm.s32 @!p1 $0x4;
	[sflag:s23] =	ssyncadd.s32 $0xFFFFD800  }
0xa8: {  	[spmem:s3] =	stream.indirect.scatter.add.f32 [tilespmem:s15], [sflag:$0xD], $0x80, s29, s14, $0xb8;
	[tilespmem:$0x1E080] =	vst v63  }
0xa9: {  	_ =	swait.ge @!p1 [sflag:s2], $0x50  }
0xaa: {  	[sflag:s2] =	ssyncset.done @!p1 $0x0  }
.Ltmp7:
0xab: {  	[sflag:s2] =	ssyncadd.s32 @!p1 $0xFFFFFFB0;
	(pc) =	sbr.rel .LBB2_17-.Ltmp7, $4  }
0xac: {  	_ =	swait.ge @!p1 [sflag:s2], $0x50  }
0xad: {  	s13 =	simm.s32 @!p1 $0x180;
	[sflag:s2] =	ssyncset.done @!p1 $0x0  }
0xae: {  	s16 =	simm.s32 @!p1 $0x8000;
	[sflag:s2] =	ssyncadd.s32 @!p1 $0xFFFFFFB0;
	s2 =	simm.s32 @!p1 $0x50  }
0xaf: {  	[tilespmem:s16], [sflag:$0xC] =	stream.indirect.gather @!p1 [hbm4b:s1+s2], $0x80, s13, s2, $0xb8;
	[tilespmem:$0x1E080] =	vst v63  }
.LBB2_6:
0xb0: {  	p1 =	sgt.s32 s2, $0x5  }
.Ltmp8:
0xb1: {  	_ = 	snop;
	(pc) =	sbr.rel @p1 .LBB2_15-.Ltmp8, $1  }
0xb2: {  	_ =	sdelay $0x3  }
0xb3: {  	p1 =	seq.s32 s2, $0x4  }
.Ltmp9:
0xb4: {  	_ = 	snop;
	(pc) =	sbr.rel @!p1 .LBB2_13-.Ltmp9, $1  }
0xb5: {  	_ =	sdelay $0x3  }
0xb6: {  	p1 =	seq.s32 s30, $0x0  }
0xb7: {  	s2 =	simm.s32 @!p1 $0x10  }
0xb8: {  	p2 =	sgt.u32 @!p1 s30, $0x75;
	_ =	swait.ge @!p1 [sflag:s2], $0x2800  }
0xb9: {  	p2 =	por p1, !p2;
	[sflag:s2] =	ssyncset.done @!p1 $0x0  }
0xba: {  	[sflag:s2] =	ssyncadd.s32 @!p1 $0xFFFFD800;
	s2 =	simm.s32 @p2 $0x180  }
0xbb: {  	[tilespmem:s2], [sflag:$0x4] =	stream.linear.gather @p2 [hbm4b:s11+s4], $0x50, $0x38;
	[tilespmem:$0x1E080] =	vst v63  }
0xbc: {  	_ = 	snop  }
0xbd: {  	[tilespmem:s6], [sflag:$0x4] =	stream.linear.gather @p2 [hbm4b:s28+s4], $0x50, $0x38;
	[tilespmem:$0x1E080] =	vst v63  }
0xbe: {  	_ =	swait.ge [sflag:s23], $0x2800  }
0xbf: {  	p1 =	sgt.u32 s30, $0x79;
	[sflag:s23] =	ssyncset.done $0x0  }
0xc0: {  	s2 =	simm.s32 @!p1 $0x8;
	[sflag:s23] =	ssyncadd.s32 $0xFFFFD800  }
0xc1: {  	[spmem:s3] =	stream.indirect.scatter.add.f32 [tilespmem:s15], [sflag:$0xD], $0x80, s8, s14, $0xb8;
	[tilespmem:$0x1E080] =	vst v63  }
0xc2: {  	_ =	swait.ge @!p1 [sflag:s2], $0x50  }
0xc3: {  	[sflag:s2] =	ssyncset.done @!p1 $0x0  }
.Ltmp10:
0xc4: {  	[sflag:s2] =	ssyncadd.s32 @!p1 $0xFFFFFFB0;
	(pc) =	sbr.rel .LBB2_17-.Ltmp10, $4  }
0xc5: {  	_ =	swait.ge @!p1 [sflag:s2], $0x50  }
0xc6: {  	s13 =	simm.s32 @!p1 $0x380;
	[sflag:s2] =	ssyncset.done @!p1 $0x0  }
0xc7: {  	s16 =	simm.s32 @!p1 $0x8000;
	[sflag:s2] =	ssyncadd.s32 @!p1 $0xFFFFFFB0;
	s2 =	simm.s32 @!p1 $0x50  }
0xc8: {  	[tilespmem:s16], [sflag:$0xC] =	stream.indirect.gather @!p1 [hbm4b:s1+s2], $0x80, s13, s2, $0xb8;
	[tilespmem:$0x1E080] =	vst v63  }
.LBB2_11:
0xc9: {  	p1 =	seq.s32 s2, $0x2  }
.Ltmp11:
0xca: {  	_ = 	snop;
	(pc) =	sbr.rel @!p1 .LBB2_12-.Ltmp11, $1  }
0xcb: {  	_ =	sdelay $0x3  }
0xcc: {  	p1 =	seq.s32 s30, $0x0  }
0xcd: {  	s2 =	simm.s32 @!p1 $0xE  }
0xce: {  	p2 =	sgt.u32 @!p1 s30, $0x75;
	_ =	swait.ge @!p1 [sflag:s2], $0x2800  }
0xcf: {  	p2 =	por p1, !p2;
	[sflag:s2] =	ssyncset.done @!p1 $0x0  }
0xd0: {  	[sflag:s2] =	ssyncadd.s32 @!p1 $0xFFFFD800;
	s2 =	simm.s32 @p2 $0x80  }
0xd1: {  	[tilespmem:s2], [sflag:$0x2] =	stream.linear.gather @p2 [hbm4b:s11+s4], $0x50, $0x38;
	[tilespmem:$0x1E080] =	vst v63  }
0xd2: {  	_ = 	snop  }
0xd3: {  	[tilespmem:s31], [sflag:$0x2] =	stream.linear.gather @p2 [hbm4b:s28+s4], $0x50, $0x38;
	[tilespmem:$0x1E080] =	vst v63  }
0xd4: {  	_ =	swait.ge [sflag:s24], $0x2800  }
0xd5: {  	p1 =	sgt.u32 s30, $0x79;
	[sflag:s24] =	ssyncset.done $0x0  }
0xd6: {  	s2 =	simm.s32 @!p1 $0x6;
	[sflag:s24] =	ssyncadd.s32 $0xFFFFD800  }
0xd7: {  	[spmem:s3] =	stream.indirect.scatter.add.f32 [tilespmem:s19], [sflag:$0xF], $0x80, s0, s14, $0xb8;
	[tilespmem:$0x1E080] =	vst v63  }
0xd8: {  	_ =	swait.ge @!p1 [sflag:s2], $0x50  }
0xd9: {  	[sflag:s2] =	ssyncset.done @!p1 $0x0  }
.Ltmp12:
0xda: {  	[sflag:s2] =	ssyncadd.s32 @!p1 $0xFFFFFFB0;
	(pc) =	sbr.rel .LBB2_17-.Ltmp12, $4  }
0xdb: {  	_ =	swait.ge @!p1 [sflag:s2], $0x50  }
0xdc: {  	s13 =	simm.s32 @!p1 $0x280;
	[sflag:s2] =	ssyncset.done @!p1 $0x0  }
0xdd: {  	s16 =	simm.s32 @!p1 $0x3000;
	[sflag:s2] =	ssyncadd.s32 @!p1 $0xFFFFFFB0;
	s2 =	simm.s32 @!p1 $0x50  }
0xde: {  	[tilespmem:s16], [sflag:$0xA] =	stream.indirect.gather @!p1 [hbm4b:s1+s2], $0x80, s13, s2, $0xb8;
	[tilespmem:$0x1E080] =	vst v63  }
.LBB2_15:
0xdf: {  	p3 =	seq.s32 s2, $0x6  }
.Ltmp13:
0xe0: {  	_ = 	snop;
	(pc) =	sbr.rel @!p3 .LBB2_16-.Ltmp13, $3  }
0xe1: {  	_ =	sdelay $0x1  }
0xe2: {  	p1 =	seq.s32 s30, $0x0  }
0xe3: {  	p2 =	sgt.u32 @!p1 s30, $0x75  }
0xe4: {  	s2 =	simm.s32 @!p1 $0xE  }
0xe5: {  	_ =	swait.ge @!p1 [sflag:s2], $0x2800  }
0xe6: {  	p2 =	por p1, !p2;
	[sflag:s2] =	ssyncset.done @!p1 $0x0  }
0xe7: {  	[sflag:s2] =	ssyncadd.s32 @!p1 $0xFFFFD800;
	s2 =	simm.s32 @p2 $0x280  }
0xe8: {  	[tilespmem:s2], [sflag:$0x6] =	stream.linear.gather @p2 [hbm4b:s11+s4], $0x50, $0x38;
	[tilespmem:$0x1E080] =	vst v63  }
0xe9: {  	_ = 	snop  }
0xea: {  	[tilespmem:s10], [sflag:$0x6] =	stream.linear.gather @p2 [hbm4b:s28+s4], $0x50, $0x38;
	[tilespmem:$0x1E080] =	vst v63  }
0xeb: {  	_ =	swait.ge [sflag:s24], $0x2800  }
0xec: {  	p1 =	sgt.u32 s30, $0x79;
	[sflag:s24] =	ssyncset.done $0x0  }
0xed: {  	s2 =	simm.s32 @!p1 $0x2;
	[sflag:s24] =	ssyncadd.s32 $0xFFFFD800  }
0xee: {  	[spmem:s3] =	stream.indirect.scatter.add.f32 [tilespmem:s19], [sflag:$0xF], $0x80, s12, s14, $0xb8;
	[tilespmem:$0x1E080] =	vst v63  }
0xef: {  	_ =	swait.ge @!p1 [sflag:s2], $0x50  }
0xf0: {  	[sflag:s2] =	ssyncset.done @!p1 $0x0  }
.Ltmp14:
0xf1: {  	[sflag:s2] =	ssyncadd.s32 @!p1 $0xFFFFFFB0;
	(pc) =	sbr.rel .LBB2_17-.Ltmp14, $4  }
0xf2: {  	_ =	swait.ge @!p1 [sflag:s2], $0x50  }
0xf3: {  	s13 =	simm.s32 @!p1 $0x80;
	[sflag:s2] =	ssyncset.done @!p1 $0x0  }
0xf4: {  	s16 =	simm.s32 @!p1 $0x3000;
	[sflag:s2] =	ssyncadd.s32 @!p1 $0xFFFFFFB0;
	s2 =	simm.s32 @!p1 $0x50  }
0xf5: {  	[tilespmem:s16], [sflag:$0xA] =	stream.indirect.gather @!p1 [hbm4b:s1+s2], $0x80, s13, s2, $0xb8;
	[tilespmem:$0x1E080] =	vst v63  }
.LBB2_9:
0xf6: {  	p1 =	seq.s32 s30, $0x0  }
0xf7: {  	s2 =	simm.s32 @!p1 $0xD  }
0xf8: {  	_ =	swait.ge @!p1 [sflag:s2], $0x2800  }
0xf9: {  	p2 =	sgt.u32 @!p1 s30, $0x75;
	[sflag:s2] =	ssyncset.done @!p1 $0x0  }
0xfa: {  	p2 =	por p1, !p2;
	[sflag:s2] =	ssyncadd.s32 @!p1 $0xFFFFD800  }
0xfb: {  	[tilespmem:s4], [sflag:$0x1] =	stream.linear.gather @p2 [hbm4b:s11+s4], $0x50, $0x38;
	[tilespmem:$0x1E080] =	vst v63  }
0xfc: {  	_ = 	snop  }
0xfd: {  	[tilespmem:s29], [sflag:$0x1] =	stream.linear.gather @p2 [hbm4b:s28+s4], $0x50, $0x38;
	[tilespmem:$0x1E080] =	vst v63  }
0xfe: {  	_ =	swait.ge [sflag:s21], $0x2800  }
0xff: {  	p1 =	sgt.u32 s30, $0x79;
	[sflag:s21] =	ssyncset.done $0x0  }
0x100: {  	s2 =	simm.s32 @!p1 $0x5;
	[sflag:s21] =	ssyncadd.s32 $0xFFFFD800  }
0x101: {  	[spmem:s3] =	stream.indirect.scatter.add.f32 [tilespmem:s17], [sflag:$0xE], $0x80, s31, s14, $0xb8;
	[tilespmem:$0x1E080] =	vst v63  }
0x102: {  	_ =	swait.ge @!p1 [sflag:s2], $0x50  }
0x103: {  	[sflag:s2] =	ssyncset.done @!p1 $0x0  }
.Ltmp15:
0x104: {  	[sflag:s2] =	ssyncadd.s32 @!p1 $0xFFFFFFB0;
	(pc) =	sbr.rel .LBB2_17-.Ltmp15, $4  }
0x105: {  	_ =	swait.ge @!p1 [sflag:s2], $0x50  }
0x106: {  	s13 =	simm.s32 @!p1 $0x200;
	[sflag:s2] =	ssyncset.done @!p1 $0x0  }
0x107: {  	s16 =	simm.s32 @!p1 $0x800;
	[sflag:s2] =	ssyncadd.s32 @!p1 $0xFFFFFFB0;
	s2 =	simm.s32 @!p1 $0x50  }
0x108: {  	[tilespmem:s16], [sflag:$0x9] =	stream.indirect.gather @!p1 [hbm4b:s1+s2], $0x80, s13, s2, $0xb8;
	[tilespmem:$0x1E080] =	vst v63  }
.LBB2_13:
0x109: {  	p1 =	seq.s32 s30, $0x0  }
0x10a: {  	s2 =	simm.s32 @!p1 $0xD  }
0x10b: {  	p2 =	sgt.u32 @!p1 s30, $0x75;
	_ =	swait.ge @!p1 [sflag:s2], $0x2800  }
0x10c: {  	p2 =	por p1, !p2;
	[sflag:s2] =	ssyncset.done @!p1 $0x0  }
0x10d: {  	[sflag:s2] =	ssyncadd.s32 @!p1 $0xFFFFD800;
	s2 =	simm.s32 @p2 $0x200  }
0x10e: {  	[tilespmem:s2], [sflag:$0x5] =	stream.linear.gather @p2 [hbm4b:s11+s4], $0x50, $0x38;
	[tilespmem:$0x1E080] =	vst v63  }
0x10f: {  	_ = 	snop  }
0x110: {  	[tilespmem:s8], [sflag:$0x5] =	stream.linear.gather @p2 [hbm4b:s28+s4], $0x50, $0x38;
	[tilespmem:$0x1E080] =	vst v63  }
0x111: {  	_ =	swait.ge [sflag:s21], $0x2800  }
0x112: {  	p1 =	sgt.u32 s30, $0x79;
	[sflag:s21] =	ssyncset.done $0x0  }
0x113: {  	s2 =	simm.s32 @!p1 $0x1;
	[sflag:s21] =	ssyncadd.s32 $0xFFFFD800  }
0x114: {  	[spmem:s3] =	stream.indirect.scatter.add.f32 [tilespmem:s17], [sflag:$0xE], $0x80, s10, s14, $0xb8;
	[tilespmem:$0x1E080] =	vst v63  }
0x115: {  	_ =	swait.ge @!p1 [sflag:s2], $0x50  }
0x116: {  	[sflag:s2] =	ssyncset.done @!p1 $0x0  }
.Ltmp16:
0x117: {  	[sflag:s2] =	ssyncadd.s32 @!p1 $0xFFFFFFB0;
	(pc) =	sbr.rel .LBB2_17-.Ltmp16, $4  }
0x118: {  	_ =	swait.ge @!p1 [sflag:s2], $0x50  }
0x119: {  	s13 =	simm.s32 @!p1 $0x0;
	[sflag:s2] =	ssyncset.done @!p1 $0x0  }
0x11a: {  	s16 =	simm.s32 @!p1 $0x800;
	[sflag:s2] =	ssyncadd.s32 @!p1 $0xFFFFFFB0;
	s2 =	simm.s32 @!p1 $0x50  }
0x11b: {  	[tilespmem:s16], [sflag:$0x9] =	stream.indirect.gather @!p1 [hbm4b:s1+s2], $0x80, s13, s2, $0xb8;
	[tilespmem:$0x1E080] =	vst v63  }
.LBB2_12:
0x11c: {  	p1 =	seq.s32 s30, $0x0  }
0x11d: {  	s2 =	simm.s32 @!p1 $0xF  }
0x11e: {  	p2 =	sgt.u32 @!p1 s30, $0x75;
	_ =	swait.ge @!p1 [sflag:s2], $0x2800  }
0x11f: {  	p2 =	por p1, !p2;
	[sflag:s2] =	ssyncset.done @!p1 $0x0  }
0x120: {  	[sflag:s2] =	ssyncadd.s32 @!p1 $0xFFFFD800;
	s2 =	simm.s32 @p2 $0x100  }
0x121: {  	[tilespmem:s2], [sflag:$0x3] =	stream.linear.gather @p2 [hbm4b:s11+s4], $0x50, $0x38;
	[tilespmem:$0x1E080] =	vst v63  }
0x122: {  	_ = 	snop  }
0x123: {  	[tilespmem:s0], [sflag:$0x3] =	stream.linear.gather @p2 [hbm4b:s28+s4], $0x50, $0x38;
	[tilespmem:$0x1E080] =	vst v63  }
0x124: {  	_ =	swait.ge [sflag:s25], $0x2800  }
0x125: {  	p1 =	sgt.u32 s30, $0x79;
	[sflag:s25] =	ssyncset.done $0x0  }
0x126: {  	s2 =	simm.s32 @!p1 $0x7;
	[sflag:s25] =	ssyncadd.s32 $0xFFFFD800  }
0x127: {  	[spmem:s3] =	stream.indirect.scatter.add.f32 [tilespmem:s26], [sflag:$0x10], $0x80, s6, s14, $0xb8;
	[tilespmem:$0x1E080] =	vst v63  }
0x128: {  	_ =	swait.ge @!p1 [sflag:s2], $0x50  }
0x129: {  	[sflag:s2] =	ssyncset.done @!p1 $0x0  }
.Ltmp17:
0x12a: {  	[sflag:s2] =	ssyncadd.s32 @!p1 $0xFFFFFFB0;
	(pc) =	sbr.rel .LBB2_17-.Ltmp17, $4  }
0x12b: {  	_ =	swait.ge @!p1 [sflag:s2], $0x50  }
0x12c: {  	s13 =	simm.s32 @!p1 $0x300;
	[sflag:s2] =	ssyncset.done @!p1 $0x0  }
0x12d: {  	s16 =	simm.s32 @!p1 $0x5800;
	[sflag:s2] =	ssyncadd.s32 @!p1 $0xFFFFFFB0;
	s2 =	simm.s32 @!p1 $0x50  }
0x12e: {  	[tilespmem:s16], [sflag:$0xB] =	stream.indirect.gather @!p1 [hbm4b:s1+s2], $0x80, s13, s2, $0xb8;
	[tilespmem:$0x1E080] =	vst v63  }
.LBB2_19:
0x12f: {  	_ =	sfence.sel $0x180000  }
0x130: {  	[bflag:$0x0] =	sbarrier.arrive $0xFFFF  }
0x131: {  	_ =	strace $0x90000047  }
0x132: {  	s0 =	stileid.u32;
	[bflag:$0x2] =	sbarrier.arrive $0xFFFF  }
0x133: {  	p0 =	sne.s32 s0, $0x0;
	s0 =	rddreg [dreg:$0x5]  }
0x134: {  	s0 =	sadd.s32 @!p0 $0x100000, s0  }
0x135: {  	[sflag:s0] =	ssyncadd.tile.s32 @!p0 $0x1;
	_ =	shalt  }
.Lfunc_end2:
_tile_overlayer_lowered:
.L_overlay_start_2:
0x136: {  	(tag) =	ssettag $0x2  }
0x137: {  	s0 =	rddreg [dreg:$0x0];
	s2 =	stileid.u32  }
0x138: {  	s1 =	rddreg [dreg:$0x1];
	p0 =	sne.s32 s2, $0x0  }
0x139: {  	s3 =	rddreg [dreg:$0x2];
	[bflag:$0x3] =	sbarrier.arrive $0xFFFF;
	s2 =	simm.s32 @!p0 $0x1C12  }
0x13a: {  	[timem:s3], [sflag:s2] =	dma.local @!p0 [hbm:s0], s1  }
0x13b: {  	s0 =	simm.s32 @!p0 $0x12  }
0x13c: {  	_ =	swait.ge @!p0 [sflag:s0], s1  }
0x13d: {  	s1 =	ssub.s32 @!p0 $0x0, s1;
	[sflag:s0] =	ssyncset.done @!p0 $0x0  }
0x13e: {  	[sflag:s0] =	ssyncadd.s32 @!p0 s1  }
0x13f: {  	[bflag:$0x3] =	sbarrier.arrive $0xFFFF  }
0x140: {  	_ =	shalt  }

</sc_bundles>
